<compile_context>
chip_gen: v7x
topology: tpu7x:2x2x1
jax: 0.10.2.dev20260603
libtpu: 0.0.44.dev20260713+nightly
codegen_flags: <defaults>
</compile_context>

<pallas_src>
import functools

import jax
import jax.numpy as jnp
from jax import lax
from jax.experimental import pallas as pl
from jax.experimental.pallas import tpu as pltpu
from jax.experimental.pallas import tpu_sc as plsc

L = 16
RSHIFT = 17
NB = 1 << (31 - RSHIFT)
NCHUNK = NB // L
TOPK_FRACTION = 0.1


def _bcast(x, dtype=jnp.int32):
    return lax.broadcast_in_dim(lax.convert_element_type(x, dtype), (L,), ())


@functools.cache
def _build(B, N):
    info = plsc.get_sparse_core_info()
    NC, NS = info.num_cores, info.num_subcores
    NW = NC * NS
    assert B % NW == 0, (B, NW)
    rows_per_w = B // NW
    assert rows_per_w == 2, rows_per_w
    k_top = int(TOPK_FRACTION * N)
    n_chunks = N // L

    mesh = plsc.VectorSubcoreMesh(core_axis_name="c", subcore_axis_name="s")

    @functools.partial(
        pl.kernel,
        out_type=jax.ShapeDtypeStruct((B, N), jnp.float32),
        mesh=mesh,
        compiler_params=pltpu.CompilerParams(needs_layout_passes=False),
        scratch_types=[
            pltpu.VMEM((N,), jnp.float32),
            pltpu.VMEM((N,), jnp.float32),
            pltpu.VMEM((N,), jnp.float32),
            pltpu.VMEM((NB,), jnp.int32),
            pltpu.VMEM((NCHUNK,), jnp.int32),
            pltpu.VMEM((NCHUNK // L,), jnp.int32),
            pltpu.VMEM((L,), jnp.int32),
        ] + [pltpu.SemaphoreType.DMA] * 9,
    )
    def sc_kernel(x_hbm, thr_hbm, out_hbm, row_a, row_b, thr_v, hist_v,
                  lvl1_v, lvl2_v, lvl3_v, *sems):
        wid = lax.axis_index("s") * NC + lax.axis_index("c")
        ones = jnp.ones((L,), jnp.int32)
        zeros = jnp.zeros((L,), jnp.int32)
        lane = lax.iota(jnp.int32, L)
        lane0 = lane == 0
        rows = [wid * rows_per_w + r for r in range(rows_per_w)]
        bufs = [row_a, row_b]
        NH = N // 2
        in_sems = [[sems[2 * r + h] for h in range(2)]
                   for r in range(rows_per_w)]
        out_sems = [[sems[4 + 2 * r + h] for h in range(2)]
                    for r in range(rows_per_w)]
        sem_t = sems[8]

        in_copies = [
            [pltpu.async_copy(x_hbm.at[rows[r], pl.ds(h * NH, NH)],
                              bufs[r].at[pl.ds(h * NH, NH)], in_sems[r][h])
             for h in range(2)]
            for r in range(rows_per_w)
        ]
        thr_copy = pltpu.async_copy(thr_hbm, thr_v, sem_t)
        out_copies = []

        lvl3_v[pl.ds(0, L)] = zeros

        @plsc.parallel_loop(0, NCHUNK, unroll=8)
        def _(i):
            hist_v[pl.ds(i * L, L)] = zeros

        def drill(vec, base_above, k_need):
            rh = jnp.flip(vec)
            suffix = plsc.cumsum(rh) + base_above
            m = suffix >= k_need
            first = m & (plsc.cumsum(m.astype(jnp.int32)) == 1)
            j = jnp.max(jnp.where(first, (L - 1) - lane, jnp.int32(-1)))
            above = jnp.max(jnp.where(first, suffix - rh, jnp.int32(-1)))
            return j, above

        def hist_scan(k_need, re_zero):
            @plsc.parallel_loop(0, NCHUNK, unroll=4)
            def _(c):
                t = jnp.sum(hist_v[pl.ds(c * L, L)])
                plsc.store_scatter(lvl1_v, [_bcast(c)], _bcast(t), mask=lane0)

            @plsc.parallel_loop(0, NCHUNK // L, unroll=4)
            def _(s):
                t = jnp.sum(lvl1_v[pl.ds(s * L, L)])
                plsc.store_scatter(lvl2_v, [_bcast(s)], _bcast(t), mask=lane0)

            @plsc.parallel_loop(0, NCHUNK // L // L)
            def _(u):
                t = jnp.sum(lvl2_v[pl.ds(u * L, L)])
                plsc.store_scatter(lvl3_v, [_bcast(u)], _bcast(t), mask=lane0)

            s3, above3 = drill(lvl3_v[pl.ds(0, L)], jnp.int32(0), k_need)
            s2, above2 = drill(lvl2_v[pl.ds(s3 * L, L)], above3, k_need)
            c2 = s3 * L + s2
            s1, above1 = drill(lvl1_v[pl.ds(c2 * L, L)], above2, k_need)
            c1 = c2 * L + s1
            b0, _ = drill(hist_v[pl.ds(c1 * L, L)], above1, k_need)
            bstar = c1 * L + b0

            if re_zero:
                @plsc.parallel_loop(0, NCHUNK, unroll=8)
                def _(i):
                    hist_v[pl.ds(i * L, L)] = zeros

            return bstar

        def hist_half(buf, h):
            @plsc.parallel_loop(h * (n_chunks // 2),
                                (h + 1) * (n_chunks // 2), unroll=8)
            def _(i):
                v = buf[pl.ds(i * L, L)]
                bits = lax.bitcast_convert_type(jnp.abs(v), jnp.int32)
                plsc.addupdate_scatter(
                    hist_v, [lax.shift_right_logical(bits, RSHIFT)], ones)

        def apply_half(r, h, cutoff, fuse_hist_buf):
            row_v = bufs[r]

            @plsc.parallel_loop(h * (n_chunks // 2),
                                (h + 1) * (n_chunks // 2), unroll=8)
            def _(i):
                v = row_v[pl.ds(i * L, L)]
                vb = lax.bitcast_convert_type(v, jnp.int32)
                ab = vb & jnp.int32(0x7FFFFFFF)
                a = lax.bitcast_convert_type(ab, jnp.float32)
                m = jnp.maximum(a - thr_v[pl.ds(i * L, L)],
                                jnp.float32(0.0))
                soft_b = (vb & jnp.int32(-0x80000000)) | \
                    lax.bitcast_convert_type(m, jnp.int32)
                out_b = jnp.where(ab >= cutoff, vb, soft_b)
                row_v[pl.ds(i * L, L)] = lax.bitcast_convert_type(
                    out_b, jnp.float32)
                if fuse_hist_buf is not None:
                    w = fuse_hist_buf[pl.ds(i * L, L)]
                    wbits = lax.bitcast_convert_type(jnp.abs(w), jnp.int32)
                    plsc.addupdate_scatter(
                        hist_v, [lax.shift_right_logical(wbits, RSHIFT)],
                        ones)

            out_copies.append(
                pltpu.async_copy(bufs[r].at[pl.ds(h * NH, NH)],
                                 out_hbm.at[rows[r], pl.ds(h * NH, NH)],
                                 out_sems[r][h]))

        for h in range(2):
            in_copies[0][h].wait()
            hist_half(bufs[0], h)
        cutoff0 = lax.shift_left(
            hist_scan(jnp.int32(k_top), re_zero=True), RSHIFT)
        thr_copy.wait()

        for h in range(2):
            in_copies[1][h].wait()
            apply_half(0, h, cutoff0, fuse_hist_buf=bufs[1])

        cutoff1 = lax.shift_left(
            hist_scan(jnp.int32(k_top), re_zero=False), RSHIFT)
        for h in range(2):
            apply_half(1, h, cutoff1, fuse_hist_buf=None)

        for c in out_copies:
            c.wait()

    return sc_kernel


def kernel(x, threshold):
    B, N = x.shape
    return _build(B, N)(x, threshold)

# --- scband reference (transcript-rebuilt; emitter-appended) ---
"""Pipeline reference for scband-soft-thresh-module-ss-49117245997196 (READ-ONLY COPY).

The authoritative reference and input builder live on the scoring server;
editing this copy changes nothing except your own understanding.
"""

import jax, jax.numpy as jnp
import numpy as np

N = 32768
B = 64
ALPHA = 0.001
SS_SIZE = 0.1
TOPK = int(SS_SIZE * N)  # 3276


def setup_inputs(seed: int = 0) -> dict:
    key = jax.random.key(seed)
    x = jax.random.normal(key, (B, N), dtype=jnp.float32)
    # learned parameter: per-feature threshold, initialized to alpha
    threshold = jnp.ones((N,), dtype=jnp.float32) * ALPHA
    return {"x": x, "threshold": threshold}


def reference(x, threshold):
    x_abs = jnp.abs(x)
    vals = jnp.sign(x) * jnp.maximum(x_abs - threshold, jnp.float32(0.0))
    # top-k over last dim of |x| per row (torch.topk default dim=-1)
    _, sort_idx = jax.lax.top_k(x_abs, TOPK)
    row_idx = jnp.arange(x.shape[0])[:, None]
    mask = jnp.zeros(x.shape, dtype=bool).at[row_idx, sort_idx].set(True)
    # masked (top-k by magnitude) positions keep raw x; rest are soft-thresholded
    vals = jnp.where(mask, x, vals)
    return vals

if __name__ == "__main__":
    import jax
    _d = setup_inputs()
    print(jax.jit(kernel)(*tuple(_d.values())))

</pallas_src>

<mosaic_0001>
#map = affine_map<(d0, d1) -> (0, 0)>
#map1 = affine_map<(d0, d1) -> (0)>
module attributes {stable_mosaic.version = 14 : i64} {
  func.func @sc_kernel(%arg0: i32, %arg1: i32, %arg2: memref<64x32768xf32, #tpu.memory_space<hbm>>, %arg3: memref<32768xf32, #tpu.memory_space<hbm>>, %arg4: memref<64x32768xf32, #tpu.memory_space<hbm>>, %arg5: memref<32768xf32, #tpu.memory_space<vmem>>, %arg6: memref<32768xf32, #tpu.memory_space<vmem>>, %arg7: memref<32768xf32, #tpu.memory_space<vmem>>, %arg8: memref<16384xi32, #tpu.memory_space<vmem>>, %arg9: memref<1024xi32, #tpu.memory_space<vmem>>, %arg10: memref<64xi32, #tpu.memory_space<vmem>>, %arg11: memref<16xi32, #tpu.memory_space<vmem>>, %arg12: memref<!tpu.dma_semaphore, #tpu.memory_space<semaphore_mem>>, %arg13: memref<!tpu.dma_semaphore, #tpu.memory_space<semaphore_mem>>, %arg14: memref<!tpu.dma_semaphore, #tpu.memory_space<semaphore_mem>>, %arg15: memref<!tpu.dma_semaphore, #tpu.memory_space<semaphore_mem>>, %arg16: memref<!tpu.dma_semaphore, #tpu.memory_space<semaphore_mem>>, %arg17: memref<!tpu.dma_semaphore, #tpu.memory_space<semaphore_mem>>, %arg18: memref<!tpu.dma_semaphore, #tpu.memory_space<semaphore_mem>>, %arg19: memref<!tpu.dma_semaphore, #tpu.memory_space<semaphore_mem>>, %arg20: memref<!tpu.dma_semaphore, #tpu.memory_space<semaphore_mem>>) attributes {dimension_semantics = [#tpu.dimension_semantics<core_parallel>, #tpu.dimension_semantics<subcore_parallel>], iteration_bounds = array<i64: 2, 16>, scalar_prefetch = 0 : i64, scratch_operands = 16 : i64, tpu.core_type = #tpu.core_type<sc_vector_subcore>, window_params = [{transform_indices = #map}, {transform_indices = #map1}, {transform_indices = #map}]} {
    %mul3A = arith.constant 2 : i32
    %mul3A_0 = arith.muli %arg1, %mul3A : i32
    %add3A = arith.addi %mul3A_0, %arg0 : i32
    %broadcast_in_dim3A = arith.constant 1 : i32
    %broadcast_in_dim3A_1 = vector.broadcast %broadcast_in_dim3A : i32 to vector<16xi32>
    %broadcast_in_dim3A_2 = arith.constant 0 : i32
    %broadcast_in_dim3A_3 = vector.broadcast %broadcast_in_dim3A_2 : i32 to vector<16xi32>
    %iota3A = tpu.iota {dimensions = array<i32: 0>} : vector<16xi32>
    %eq3A = arith.constant 0 : i32
    %eq3A_4 = vector.broadcast %eq3A : i32 to vector<16xi32>
    %eq3A_5 = arith.cmpi eq, %iota3A, %eq3A_4 : vector<16xi32>
    %mul3A_6 = arith.constant 2 : i32
    %mul3A_7 = arith.muli %add3A, %mul3A_6 : i32
    %add3A_8 = arith.constant 0 : i32
    %add3A_9 = arith.addi %mul3A_7, %add3A_8 : i32
    %mul3A_10 = arith.constant 2 : i32
    %mul3A_11 = arith.muli %add3A, %mul3A_10 : i32
    %add3A_12 = arith.constant 1 : i32
    %add3A_13 = arith.addi %mul3A_11, %add3A_12 : i32
    %dma_start3A = arith.constant 0 : i32
    %dma_start3A_14 = tpu.memref_slice %arg5[%dma_start3A] : memref<32768xf32, #tpu.memory_space<vmem>> -> memref<16384xf32, #tpu.memory_space<vmem>>
    %dma_start3A_15 = arith.constant 0 : i32
    %dma_start3A_16 = tpu.memref_slice %arg2[%add3A_9, %dma_start3A_15] : memref<64x32768xf32, #tpu.memory_space<hbm>> -> memref<1x16384xf32, #tpu.memory_space<hbm>>
    %dma_start3A_17 = tpu.memref_squeeze %dma_start3A_16 : memref<1x16384xf32, #tpu.memory_space<hbm>> -> memref<16384xf32, #tpu.memory_space<hbm>>
    %dma_start3A_18 = arith.constant 0 : i32
    %dma_start3A_19 = tpu.memref_slice %arg5[%dma_start3A_18] : memref<32768xf32, #tpu.memory_space<vmem>> -> memref<16384xf32, #tpu.memory_space<vmem>>
    %dma_start3A_20 = arith.constant 0 : i32
    %dma_start3A_21 = tpu.memref_slice %arg2[%add3A_9, %dma_start3A_20] : memref<64x32768xf32, #tpu.memory_space<hbm>> -> memref<1x16384xf32, #tpu.memory_space<hbm>>
    %dma_start3A_22 = tpu.memref_squeeze %dma_start3A_21 : memref<1x16384xf32, #tpu.memory_space<hbm>> -> memref<16384xf32, #tpu.memory_space<hbm>>
    tpu.enqueue_dma source(%dma_start3A_22 : memref<16384xf32, #tpu.memory_space<hbm>>) target(%dma_start3A_19 : memref<16384xf32, #tpu.memory_space<vmem>>) target_semaphore(%arg12 : memref<!tpu.dma_semaphore, #tpu.memory_space<semaphore_mem>>)
    %dma_start3A_23 = arith.constant 16384 : i32
    %dma_start3A_24 = tpu.memref_slice %arg5[%dma_start3A_23] : memref<32768xf32, #tpu.memory_space<vmem>> -> memref<16384xf32, #tpu.memory_space<vmem>>
    %dma_start3A_25 = arith.constant 16384 : i32
    %dma_start3A_26 = tpu.memref_slice %arg2[%add3A_9, %dma_start3A_25] : memref<64x32768xf32, #tpu.memory_space<hbm>> -> memref<1x16384xf32, #tpu.memory_space<hbm>>
    %dma_start3A_27 = tpu.memref_squeeze %dma_start3A_26 : memref<1x16384xf32, #tpu.memory_space<hbm>> -> memref<16384xf32, #tpu.memory_space<hbm>>
    %dma_start3A_28 = arith.constant 16384 : i32
    %dma_start3A_29 = tpu.memref_slice %arg5[%dma_start3A_28] : memref<32768xf32, #tpu.memory_space<vmem>> -> memref<16384xf32, #tpu.memory_space<vmem>>
    %dma_start3A_30 = arith.constant 16384 : i32
    %dma_start3A_31 = tpu.memref_slice %arg2[%add3A_9, %dma_start3A_30] : memref<64x32768xf32, #tpu.memory_space<hbm>> -> memref<1x16384xf32, #tpu.memory_space<hbm>>
    %dma_start3A_32 = tpu.memref_squeeze %dma_start3A_31 : memref<1x16384xf32, #tpu.memory_space<hbm>> -> memref<16384xf32, #tpu.memory_space<hbm>>
    tpu.enqueue_dma source(%dma_start3A_32 : memref<16384xf32, #tpu.memory_space<hbm>>) target(%dma_start3A_29 : memref<16384xf32, #tpu.memory_space<vmem>>) target_semaphore(%arg13 : memref<!tpu.dma_semaphore, #tpu.memory_space<semaphore_mem>>)
    %dma_start3A_33 = arith.constant 0 : i32
    %dma_start3A_34 = tpu.memref_slice %arg6[%dma_start3A_33] : memref<32768xf32, #tpu.memory_space<vmem>> -> memref<16384xf32, #tpu.memory_space<vmem>>
    %dma_start3A_35 = arith.constant 0 : i32
    %dma_start3A_36 = tpu.memref_slice %arg2[%add3A_13, %dma_start3A_35] : memref<64x32768xf32, #tpu.memory_space<hbm>> -> memref<1x16384xf32, #tpu.memory_space<hbm>>
    %dma_start3A_37 = tpu.memref_squeeze %dma_start3A_36 : memref<1x16384xf32, #tpu.memory_space<hbm>> -> memref<16384xf32, #tpu.memory_space<hbm>>
    %dma_start3A_38 = arith.constant 0 : i32
    %dma_start3A_39 = tpu.memref_slice %arg6[%dma_start3A_38] : memref<32768xf32, #tpu.memory_space<vmem>> -> memref<16384xf32, #tpu.memory_space<vmem>>
    %dma_start3A_40 = arith.constant 0 : i32
    %dma_start3A_41 = tpu.memref_slice %arg2[%add3A_13, %dma_start3A_40] : memref<64x32768xf32, #tpu.memory_space<hbm>> -> memref<1x16384xf32, #tpu.memory_space<hbm>>
    %dma_start3A_42 = tpu.memref_squeeze %dma_start3A_41 : memref<1x16384xf32, #tpu.memory_space<hbm>> -> memref<16384xf32, #tpu.memory_space<hbm>>
    tpu.enqueue_dma source(%dma_start3A_42 : memref<16384xf32, #tpu.memory_space<hbm>>) target(%dma_start3A_39 : memref<16384xf32, #tpu.memory_space<vmem>>) target_semaphore(%arg14 : memref<!tpu.dma_semaphore, #tpu.memory_space<semaphore_mem>>)
    %dma_start3A_43 = arith.constant 16384 : i32
    %dma_start3A_44 = tpu.memref_slice %arg6[%dma_start3A_43] : memref<32768xf32, #tpu.memory_space<vmem>> -> memref<16384xf32, #tpu.memory_space<vmem>>
    %dma_start3A_45 = arith.constant 16384 : i32
    %dma_start3A_46 = tpu.memref_slice %arg2[%add3A_13, %dma_start3A_45] : memref<64x32768xf32, #tpu.memory_space<hbm>> -> memref<1x16384xf32, #tpu.memory_space<hbm>>
    %dma_start3A_47 = tpu.memref_squeeze %dma_start3A_46 : memref<1x16384xf32, #tpu.memory_space<hbm>> -> memref<16384xf32, #tpu.memory_space<hbm>>
    %dma_start3A_48 = arith.constant 16384 : i32
    %dma_start3A_49 = tpu.memref_slice %arg6[%dma_start3A_48] : memref<32768xf32, #tpu.memory_space<vmem>> -> memref<16384xf32, #tpu.memory_space<vmem>>
    %dma_start3A_50 = arith.constant 16384 : i32
    %dma_start3A_51 = tpu.memref_slice %arg2[%add3A_13, %dma_start3A_50] : memref<64x32768xf32, #tpu.memory_space<hbm>> -> memref<1x16384xf32, #tpu.memory_space<hbm>>
    %dma_start3A_52 = tpu.memref_squeeze %dma_start3A_51 : memref<1x16384xf32, #tpu.memory_space<hbm>> -> memref<16384xf32, #tpu.memory_space<hbm>>
    tpu.enqueue_dma source(%dma_start3A_52 : memref<16384xf32, #tpu.memory_space<hbm>>) target(%dma_start3A_49 : memref<16384xf32, #tpu.memory_space<vmem>>) target_semaphore(%arg15 : memref<!tpu.dma_semaphore, #tpu.memory_space<semaphore_mem>>)
    tpu.enqueue_dma source(%arg3 : memref<32768xf32, #tpu.memory_space<hbm>>) target(%arg7 : memref<32768xf32, #tpu.memory_space<vmem>>) target_semaphore(%arg20 : memref<!tpu.dma_semaphore, #tpu.memory_space<semaphore_mem>>)
    %swap3A = arith.constant 0 : index
    %swap3A_53 = tpu.vector_load %arg11[%swap3A] {strides = array<i32>} : memref<16xi32, #tpu.memory_space<vmem>>, vector<16xi32>,
    tpu.vector_store %arg11[%swap3A], %broadcast_in_dim3A_3 {strides = array<i32>} : memref<16xi32, #tpu.memory_space<vmem>>, vector<16xi32>,
    %parallel_loop3A = arith.constant 0 : i32
    %parallel_loop3A_54 = arith.constant 1024 : i32
    %parallel_loop3A_55 = arith.constant 1 : i32
    scf.for %parallel_loop3A_631 = %parallel_loop3A to %parallel_loop3A_54 step %parallel_loop3A_55  : i32 {
      %parallel_loop3A_632 = arith.constant 16 : i32
      %parallel_loop3A_633 = arith.muli %parallel_loop3A_631, %parallel_loop3A_632 : i32
      %parallel_loop3A_634 = arith.index_cast %parallel_loop3A_633 : i32 to index
      %parallel_loop3A_635 = tpu.vector_load %arg8[%parallel_loop3A_634] {strides = array<i32>} : memref<16384xi32, #tpu.memory_space<vmem>>, vector<16xi32>,
      tpu.vector_store %arg8[%parallel_loop3A_634], %broadcast_in_dim3A_3 {strides = array<i32>} : memref<16384xi32, #tpu.memory_space<vmem>>, vector<16xi32>,
    } {sc.loop_unroll_factor = 8 : i64, sc.parallel_access}
    %dma_wait3A = arith.constant 0 : i32
    %dma_wait3A_56 = tpu.memref_slice %arg5[%dma_wait3A] : memref<32768xf32, #tpu.memory_space<vmem>> -> memref<16384xf32, #tpu.memory_space<vmem>>
    %dma_wait3A_57 = arith.constant 0 : i32
    %dma_wait3A_58 = tpu.memref_slice %arg2[%add3A_9, %dma_wait3A_57] : memref<64x32768xf32, #tpu.memory_space<hbm>> -> memref<1x16384xf32, #tpu.memory_space<hbm>>
    %dma_wait3A_59 = tpu.memref_squeeze %dma_wait3A_58 : memref<1x16384xf32, #tpu.memory_space<hbm>> -> memref<16384xf32, #tpu.memory_space<hbm>>
    %dma_wait3A_60 = arith.constant 0 : i32
    %dma_wait3A_61 = tpu.memref_slice %arg5[%dma_wait3A_60] : memref<32768xf32, #tpu.memory_space<vmem>> -> memref<16384xf32, #tpu.memory_space<vmem>>
    %dma_wait3A_62 = arith.constant 0 : i32
    %dma_wait3A_63 = tpu.memref_slice %arg2[%add3A_9, %dma_wait3A_62] : memref<64x32768xf32, #tpu.memory_space<hbm>> -> memref<1x16384xf32, #tpu.memory_space<hbm>>
    %dma_wait3A_64 = tpu.memref_squeeze %dma_wait3A_63 : memref<1x16384xf32, #tpu.memory_space<hbm>> -> memref<16384xf32, #tpu.memory_space<hbm>>
    tpu.wait_dma2 semaphore(%arg12 : memref<!tpu.dma_semaphore, #tpu.memory_space<semaphore_mem>>) src(%dma_wait3A_64 : memref<16384xf32, #tpu.memory_space<hbm>>) dst(%dma_wait3A_61 : memref<16384xf32, #tpu.memory_space<vmem>>)
    %parallel_loop3A_65 = arith.constant 0 : i32
    %parallel_loop3A_66 = arith.constant 1024 : i32
    %parallel_loop3A_67 = arith.constant 1 : i32
    scf.for %parallel_loop3A_631 = %parallel_loop3A_65 to %parallel_loop3A_66 step %parallel_loop3A_67  : i32 {
      %parallel_loop3A_632 = arith.constant 16 : i32
      %parallel_loop3A_633 = arith.muli %parallel_loop3A_631, %parallel_loop3A_632 : i32
      %parallel_loop3A_634 = arith.index_cast %parallel_loop3A_633 : i32 to index
      %parallel_loop3A_635 = tpu.vector_load %arg5[%parallel_loop3A_634] {strides = array<i32>} : memref<32768xf32, #tpu.memory_space<vmem>>, vector<16xf32>,
      %parallel_loop3A_636 = math.absf %parallel_loop3A_635 : vector<16xf32>
      %parallel_loop3A_637 = tpu.bitcast %parallel_loop3A_636 : vector<16xf32> -> vector<16xi32>
      %parallel_loop3A_638 = arith.constant 17 : i32
      %parallel_loop3A_639 = vector.broadcast %parallel_loop3A_638 : i32 to vector<16xi32>
      %parallel_loop3A_640 = arith.shrui %parallel_loop3A_637, %parallel_loop3A_639 : vector<16xi32>
      tpu.vector_store_idx %arg8[%parallel_loop3A_640], %broadcast_in_dim3A_1 {add = true} : memref<16384xi32, #tpu.memory_space<vmem>>[vector<16xi32>], vector<16xi32>,
    } {sc.loop_unroll_factor = 8 : i64, sc.parallel_access}
    %dma_wait3A_68 = arith.constant 16384 : i32
    %dma_wait3A_69 = tpu.memref_slice %arg5[%dma_wait3A_68] : memref<32768xf32, #tpu.memory_space<vmem>> -> memref<16384xf32, #tpu.memory_space<vmem>>
    %dma_wait3A_70 = arith.constant 16384 : i32
    %dma_wait3A_71 = tpu.memref_slice %arg2[%add3A_9, %dma_wait3A_70] : memref<64x32768xf32, #tpu.memory_space<hbm>> -> memref<1x16384xf32, #tpu.memory_space<hbm>>
    %dma_wait3A_72 = tpu.memref_squeeze %dma_wait3A_71 : memref<1x16384xf32, #tpu.memory_space<hbm>> -> memref<16384xf32, #tpu.memory_space<hbm>>
    %dma_wait3A_73 = arith.constant 16384 : i32
    %dma_wait3A_74 = tpu.memref_slice %arg5[%dma_wait3A_73] : memref<32768xf32, #tpu.memory_space<vmem>> -> memref<16384xf32, #tpu.memory_space<vmem>>
    %dma_wait3A_75 = arith.constant 16384 : i32
    %dma_wait3A_76 = tpu.memref_slice %arg2[%add3A_9, %dma_wait3A_75] : memref<64x32768xf32, #tpu.memory_space<hbm>> -> memref<1x16384xf32, #tpu.memory_space<hbm>>
    %dma_wait3A_77 = tpu.memref_squeeze %dma_wait3A_76 : memref<1x16384xf32, #tpu.memory_space<hbm>> -> memref<16384xf32, #tpu.memory_space<hbm>>
    tpu.wait_dma2 semaphore(%arg13 : memref<!tpu.dma_semaphore, #tpu.memory_space<semaphore_mem>>) src(%dma_wait3A_77 : memref<16384xf32, #tpu.memory_space<hbm>>) dst(%dma_wait3A_74 : memref<16384xf32, #tpu.memory_space<vmem>>)
    %parallel_loop3A_78 = arith.constant 1024 : i32
    %parallel_loop3A_79 = arith.constant 2048 : i32
    %parallel_loop3A_80 = arith.constant 1 : i32
    scf.for %parallel_loop3A_631 = %parallel_loop3A_78 to %parallel_loop3A_79 step %parallel_loop3A_80  : i32 {
      %parallel_loop3A_632 = arith.constant 16 : i32
      %parallel_loop3A_633 = arith.muli %parallel_loop3A_631, %parallel_loop3A_632 : i32
      %parallel_loop3A_634 = arith.index_cast %parallel_loop3A_633 : i32 to index
      %parallel_loop3A_635 = tpu.vector_load %arg5[%parallel_loop3A_634] {strides = array<i32>} : memref<32768xf32, #tpu.memory_space<vmem>>, vector<16xf32>,
      %parallel_loop3A_636 = math.absf %parallel_loop3A_635 : vector<16xf32>
      %parallel_loop3A_637 = tpu.bitcast %parallel_loop3A_636 : vector<16xf32> -> vector<16xi32>
      %parallel_loop3A_638 = arith.constant 17 : i32
      %parallel_loop3A_639 = vector.broadcast %parallel_loop3A_638 : i32 to vector<16xi32>
      %parallel_loop3A_640 = arith.shrui %parallel_loop3A_637, %parallel_loop3A_639 : vector<16xi32>
      tpu.vector_store_idx %arg8[%parallel_loop3A_640], %broadcast_in_dim3A_1 {add = true} : memref<16384xi32, #tpu.memory_space<vmem>>[vector<16xi32>], vector<16xi32>,
    } {sc.loop_unroll_factor = 8 : i64, sc.parallel_access}
    %parallel_loop3A_81 = arith.constant 0 : i32
    %parallel_loop3A_82 = arith.constant 1024 : i32
    %parallel_loop3A_83 = arith.constant 1 : i32
    scf.for %parallel_loop3A_631 = %parallel_loop3A_81 to %parallel_loop3A_82 step %parallel_loop3A_83  : i32 {
      %parallel_loop3A_632 = arith.constant 16 : i32
      %parallel_loop3A_633 = arith.muli %parallel_loop3A_631, %parallel_loop3A_632 : i32
      %parallel_loop3A_634 = arith.index_cast %parallel_loop3A_633 : i32 to index
      %parallel_loop3A_635 = tpu.vector_load %arg8[%parallel_loop3A_634] {strides = array<i32>} : memref<16384xi32, #tpu.memory_space<vmem>>, vector<16xi32>,
      %parallel_loop3A_636 = arith.constant true
      %parallel_loop3A_637 = vector.broadcast %parallel_loop3A_636 : i1 to vector<16xi1>
      %parallel_loop3A_638 = tpu.scan <sum>, %parallel_loop3A_635 masked %parallel_loop3A_637 : vector<16xi32>, vector<16xi1> -> vector<16xi32>
      %parallel_loop3A_639 = vector.extract %parallel_loop3A_638[15] : i32 from vector<16xi32>
      %parallel_loop3A_640 = vector.broadcast %parallel_loop3A_631 : i32 to vector<16xi32>
      %parallel_loop3A_641 = vector.broadcast %parallel_loop3A_639 : i32 to vector<16xi32>
      tpu.vector_store_idx %arg9[%parallel_loop3A_640], %parallel_loop3A_641 masked %eq3A_5 : memref<1024xi32, #tpu.memory_space<vmem>>[vector<16xi32>], vector<16xi32>, vector<16xi1>
    } {sc.loop_unroll_factor = 4 : i64, sc.parallel_access}
    %parallel_loop3A_84 = arith.constant 0 : i32
    %parallel_loop3A_85 = arith.constant 64 : i32
    %parallel_loop3A_86 = arith.constant 1 : i32
    scf.for %parallel_loop3A_631 = %parallel_loop3A_84 to %parallel_loop3A_85 step %parallel_loop3A_86  : i32 {
      %parallel_loop3A_632 = arith.constant 16 : i32
      %parallel_loop3A_633 = arith.muli %parallel_loop3A_631, %parallel_loop3A_632 : i32
      %parallel_loop3A_634 = arith.index_cast %parallel_loop3A_633 : i32 to index
      %parallel_loop3A_635 = tpu.vector_load %arg9[%parallel_loop3A_634] {strides = array<i32>} : memref<1024xi32, #tpu.memory_space<vmem>>, vector<16xi32>,
      %parallel_loop3A_636 = arith.constant true
      %parallel_loop3A_637 = vector.broadcast %parallel_loop3A_636 : i1 to vector<16xi1>
      %parallel_loop3A_638 = tpu.scan <sum>, %parallel_loop3A_635 masked %parallel_loop3A_637 : vector<16xi32>, vector<16xi1> -> vector<16xi32>
      %parallel_loop3A_639 = vector.extract %parallel_loop3A_638[15] : i32 from vector<16xi32>
      %parallel_loop3A_640 = vector.broadcast %parallel_loop3A_631 : i32 to vector<16xi32>
      %parallel_loop3A_641 = vector.broadcast %parallel_loop3A_639 : i32 to vector<16xi32>
      tpu.vector_store_idx %arg10[%parallel_loop3A_640], %parallel_loop3A_641 masked %eq3A_5 : memref<64xi32, #tpu.memory_space<vmem>>[vector<16xi32>], vector<16xi32>, vector<16xi1>
    } {sc.loop_unroll_factor = 4 : i64, sc.parallel_access}
    %parallel_loop3A_87 = arith.constant 0 : i32
    %parallel_loop3A_88 = arith.constant 4 : i32
    %parallel_loop3A_89 = arith.constant 1 : i32
    scf.for %parallel_loop3A_631 = %parallel_loop3A_87 to %parallel_loop3A_88 step %parallel_loop3A_89  : i32 {
      %parallel_loop3A_632 = arith.constant 16 : i32
      %parallel_loop3A_633 = arith.muli %parallel_loop3A_631, %parallel_loop3A_632 : i32
      %parallel_loop3A_634 = arith.index_cast %parallel_loop3A_633 : i32 to index
      %parallel_loop3A_635 = tpu.vector_load %arg10[%parallel_loop3A_634] {strides = array<i32>} : memref<64xi32, #tpu.memory_space<vmem>>, vector<16xi32>,
      %parallel_loop3A_636 = arith.constant true
      %parallel_loop3A_637 = vector.broadcast %parallel_loop3A_636 : i1 to vector<16xi1>
      %parallel_loop3A_638 = tpu.scan <sum>, %parallel_loop3A_635 masked %parallel_loop3A_637 : vector<16xi32>, vector<16xi1> -> vector<16xi32>
      %parallel_loop3A_639 = vector.extract %parallel_loop3A_638[15] : i32 from vector<16xi32>
      %parallel_loop3A_640 = vector.broadcast %parallel_loop3A_631 : i32 to vector<16xi32>
      %parallel_loop3A_641 = vector.broadcast %parallel_loop3A_639 : i32 to vector<16xi32>
      tpu.vector_store_idx %arg11[%parallel_loop3A_640], %parallel_loop3A_641 masked %eq3A_5 : memref<16xi32, #tpu.memory_space<vmem>>[vector<16xi32>], vector<16xi32>, vector<16xi1>
    } {sc.loop_unroll_factor = 1 : i64, sc.parallel_access}
    %get3A = arith.constant 0 : index
    %get3A_90 = tpu.vector_load %arg11[%get3A] {strides = array<i32>} : memref<16xi32, #tpu.memory_space<vmem>>, vector<16xi32>,
    %rev3A = arith.constant 15 : i32
    %rev3A_91 = vector.broadcast %rev3A : i32 to vector<16xi32>
    %rev3A_92 = tpu.iota {dimensions = array<i32: 0>} : vector<16xi32>
    %rev3A_93 = arith.subi %rev3A_91, %rev3A_92 : vector<16xi32>
    %rev3A_94 = tpu.dynamic_gather %get3A_90[%rev3A_93] in [0] : vector<16xi32>, vector<16xi32> -> vector<16xi32>
    %broadcast_in_dim3A_95 = arith.constant true
    %broadcast_in_dim3A_96 = vector.broadcast %broadcast_in_dim3A_95 : i1 to vector<16xi1>
    %masked_cumsum3A = tpu.scan <sum>, %rev3A_94 masked %broadcast_in_dim3A_96 : vector<16xi32>, vector<16xi1> -> vector<16xi32>
    %add3A_97 = arith.constant 0 : i32
    %add3A_98 = vector.broadcast %add3A_97 : i32 to vector<16xi32>
    %add3A_99 = arith.addi %masked_cumsum3A, %add3A_98 : vector<16xi32>
    %ge3A = arith.constant 3276 : i32
    %ge3A_100 = vector.broadcast %ge3A : i32 to vector<16xi32>
    %ge3A_101 = arith.cmpi sge, %add3A_99, %ge3A_100 : vector<16xi32>
    %convert_element_type3A = arith.extui %ge3A_101 : vector<16xi1> to vector<16xi32>
    %broadcast_in_dim3A_102 = arith.constant true
    %broadcast_in_dim3A_103 = vector.broadcast %broadcast_in_dim3A_102 : i1 to vector<16xi1>
    %masked_cumsum3A_104 = tpu.scan <sum>, %convert_element_type3A masked %broadcast_in_dim3A_103 : vector<16xi32>, vector<16xi1> -> vector<16xi32>
    %eq3A_105 = arith.constant 1 : i32
    %eq3A_106 = vector.broadcast %eq3A_105 : i32 to vector<16xi32>
    %eq3A_107 = arith.cmpi eq, %masked_cumsum3A_104, %eq3A_106 : vector<16xi32>
    %and3A = arith.andi %ge3A_101, %eq3A_107 : vector<16xi1>
    %sub3A = arith.constant 15 : i32
    %sub3A_108 = vector.broadcast %sub3A : i32 to vector<16xi32>
    %sub3A_109 = arith.subi %sub3A_108, %iota3A : vector<16xi32>
    %jit3A = arith.constant -1 : i32
    %broadcast_in_dim3A_110 = vector.broadcast %jit3A : i32 to vector<16xi32>
    %select_n3A = arith.select %and3A, %sub3A_109, %broadcast_in_dim3A_110 : vector<16xi1>, vector<16xi32>
    %reduce_max3A = arith.constant true
    %reduce_max3A_111 = vector.broadcast %reduce_max3A : i1 to vector<16xi1>
    %reduce_max3A_112 = arith.constant -2147483648 : i32
    %reduce_max3A_113 = vector.broadcast %reduce_max3A_112 : i32 to vector<16xi32>
    %reduce_max3A_114 = arith.xori %select_n3A, %reduce_max3A_113 : vector<16xi32>
    %reduce_max3A_115 = tpu.scan <max>, %reduce_max3A_114 masked %reduce_max3A_111 : vector<16xi32>, vector<16xi1> -> vector<16xi32>
    %reduce_max3A_116 = arith.xori %reduce_max3A_115, %reduce_max3A_113 : vector<16xi32>
    %reduce_max3A_117 = vector.extract %reduce_max3A_116[15] : i32 from vector<16xi32>
    %sub3A_118 = arith.subi %add3A_99, %rev3A_94 : vector<16xi32>
    %jit3A_119 = arith.constant -1 : i32
    %broadcast_in_dim3A_120 = vector.broadcast %jit3A_119 : i32 to vector<16xi32>
    %select_n3A_121 = arith.select %and3A, %sub3A_118, %broadcast_in_dim3A_120 : vector<16xi1>, vector<16xi32>
    %reduce_max3A_122 = arith.constant true
    %reduce_max3A_123 = vector.broadcast %reduce_max3A_122 : i1 to vector<16xi1>
    %reduce_max3A_124 = arith.constant -2147483648 : i32
    %reduce_max3A_125 = vector.broadcast %reduce_max3A_124 : i32 to vector<16xi32>
    %reduce_max3A_126 = arith.xori %select_n3A_121, %reduce_max3A_125 : vector<16xi32>
    %reduce_max3A_127 = tpu.scan <max>, %reduce_max3A_126 masked %reduce_max3A_123 : vector<16xi32>, vector<16xi1> -> vector<16xi32>
    %reduce_max3A_128 = arith.xori %reduce_max3A_127, %reduce_max3A_125 : vector<16xi32>
    %reduce_max3A_129 = vector.extract %reduce_max3A_128[15] : i32 from vector<16xi32>
    %mul3A_130 = arith.constant 16 : i32
    %mul3A_131 = arith.muli %reduce_max3A_117, %mul3A_130 : i32
    %get3A_132 = arith.index_cast %mul3A_131 : i32 to index
    %get3A_133 = tpu.vector_load %arg10[%get3A_132] {strides = array<i32>} : memref<64xi32, #tpu.memory_space<vmem>>, vector<16xi32>,
    %rev3A_134 = arith.constant 15 : i32
    %rev3A_135 = vector.broadcast %rev3A_134 : i32 to vector<16xi32>
    %rev3A_136 = tpu.iota {dimensions = array<i32: 0>} : vector<16xi32>
    %rev3A_137 = arith.subi %rev3A_135, %rev3A_136 : vector<16xi32>
    %rev3A_138 = tpu.dynamic_gather %get3A_133[%rev3A_137] in [0] : vector<16xi32>, vector<16xi32> -> vector<16xi32>
    %broadcast_in_dim3A_139 = arith.constant true
    %broadcast_in_dim3A_140 = vector.broadcast %broadcast_in_dim3A_139 : i1 to vector<16xi1>
    %masked_cumsum3A_141 = tpu.scan <sum>, %rev3A_138 masked %broadcast_in_dim3A_140 : vector<16xi32>, vector<16xi1> -> vector<16xi32>
    %add3A_142 = vector.broadcast %reduce_max3A_129 : i32 to vector<16xi32>
    %add3A_143 = arith.addi %masked_cumsum3A_141, %add3A_142 : vector<16xi32>
    %ge3A_144 = arith.constant 3276 : i32
    %ge3A_145 = vector.broadcast %ge3A_144 : i32 to vector<16xi32>
    %ge3A_146 = arith.cmpi sge, %add3A_143, %ge3A_145 : vector<16xi32>
    %convert_element_type3A_147 = arith.extui %ge3A_146 : vector<16xi1> to vector<16xi32>
    %broadcast_in_dim3A_148 = arith.constant true
    %broadcast_in_dim3A_149 = vector.broadcast %broadcast_in_dim3A_148 : i1 to vector<16xi1>
    %masked_cumsum3A_150 = tpu.scan <sum>, %convert_element_type3A_147 masked %broadcast_in_dim3A_149 : vector<16xi32>, vector<16xi1> -> vector<16xi32>
    %eq3A_151 = arith.constant 1 : i32
    %eq3A_152 = vector.broadcast %eq3A_151 : i32 to vector<16xi32>
    %eq3A_153 = arith.cmpi eq, %masked_cumsum3A_150, %eq3A_152 : vector<16xi32>
    %and3A_154 = arith.andi %ge3A_146, %eq3A_153 : vector<16xi1>
    %sub3A_155 = arith.constant 15 : i32
    %sub3A_156 = vector.broadcast %sub3A_155 : i32 to vector<16xi32>
    %sub3A_157 = arith.subi %sub3A_156, %iota3A : vector<16xi32>
    %jit3A_158 = arith.constant -1 : i32
    %broadcast_in_dim3A_159 = vector.broadcast %jit3A_158 : i32 to vector<16xi32>
    %select_n3A_160 = arith.select %and3A_154, %sub3A_157, %broadcast_in_dim3A_159 : vector<16xi1>, vector<16xi32>
    %reduce_max3A_161 = arith.constant true
    %reduce_max3A_162 = vector.broadcast %reduce_max3A_161 : i1 to vector<16xi1>
    %reduce_max3A_163 = arith.constant -2147483648 : i32
    %reduce_max3A_164 = vector.broadcast %reduce_max3A_163 : i32 to vector<16xi32>
    %reduce_max3A_165 = arith.xori %select_n3A_160, %reduce_max3A_164 : vector<16xi32>
    %reduce_max3A_166 = tpu.scan <max>, %reduce_max3A_165 masked %reduce_max3A_162 : vector<16xi32>, vector<16xi1> -> vector<16xi32>
    %reduce_max3A_167 = arith.xori %reduce_max3A_166, %reduce_max3A_164 : vector<16xi32>
    %reduce_max3A_168 = vector.extract %reduce_max3A_167[15] : i32 from vector<16xi32>
    %sub3A_169 = arith.subi %add3A_143, %rev3A_138 : vector<16xi32>
    %jit3A_170 = arith.constant -1 : i32
    %broadcast_in_dim3A_171 = vector.broadcast %jit3A_170 : i32 to vector<16xi32>
    %select_n3A_172 = arith.select %and3A_154, %sub3A_169, %broadcast_in_dim3A_171 : vector<16xi1>, vector<16xi32>
    %reduce_max3A_173 = arith.constant true
    %reduce_max3A_174 = vector.broadcast %reduce_max3A_173 : i1 to vector<16xi1>
    %reduce_max3A_175 = arith.constant -2147483648 : i32
    %reduce_max3A_176 = vector.broadcast %reduce_max3A_175 : i32 to vector<16xi32>
    %reduce_max3A_177 = arith.xori %select_n3A_172, %reduce_max3A_176 : vector<16xi32>
    %reduce_max3A_178 = tpu.scan <max>, %reduce_max3A_177 masked %reduce_max3A_174 : vector<16xi32>, vector<16xi1> -> vector<16xi32>
    %reduce_max3A_179 = arith.xori %reduce_max3A_178, %reduce_max3A_176 : vector<16xi32>
    %reduce_max3A_180 = vector.extract %reduce_max3A_179[15] : i32 from vector<16xi32>
    %mul3A_181 = arith.constant 16 : i32
    %mul3A_182 = arith.muli %reduce_max3A_117, %mul3A_181 : i32
    %add3A_183 = arith.addi %mul3A_182, %reduce_max3A_168 : i32
    %mul3A_184 = arith.constant 16 : i32
    %mul3A_185 = arith.muli %add3A_183, %mul3A_184 : i32
    %get3A_186 = arith.index_cast %mul3A_185 : i32 to index
    %get3A_187 = tpu.vector_load %arg9[%get3A_186] {strides = array<i32>} : memref<1024xi32, #tpu.memory_space<vmem>>, vector<16xi32>,
    %rev3A_188 = arith.constant 15 : i32
    %rev3A_189 = vector.broadcast %rev3A_188 : i32 to vector<16xi32>
    %rev3A_190 = tpu.iota {dimensions = array<i32: 0>} : vector<16xi32>
    %rev3A_191 = arith.subi %rev3A_189, %rev3A_190 : vector<16xi32>
    %rev3A_192 = tpu.dynamic_gather %get3A_187[%rev3A_191] in [0] : vector<16xi32>, vector<16xi32> -> vector<16xi32>
    %broadcast_in_dim3A_193 = arith.constant true
    %broadcast_in_dim3A_194 = vector.broadcast %broadcast_in_dim3A_193 : i1 to vector<16xi1>
    %masked_cumsum3A_195 = tpu.scan <sum>, %rev3A_192 masked %broadcast_in_dim3A_194 : vector<16xi32>, vector<16xi1> -> vector<16xi32>
    %add3A_196 = vector.broadcast %reduce_max3A_180 : i32 to vector<16xi32>
    %add3A_197 = arith.addi %masked_cumsum3A_195, %add3A_196 : vector<16xi32>
    %ge3A_198 = arith.constant 3276 : i32
    %ge3A_199 = vector.broadcast %ge3A_198 : i32 to vector<16xi32>
    %ge3A_200 = arith.cmpi sge, %add3A_197, %ge3A_199 : vector<16xi32>
    %convert_element_type3A_201 = arith.extui %ge3A_200 : vector<16xi1> to vector<16xi32>
    %broadcast_in_dim3A_202 = arith.constant true
    %broadcast_in_dim3A_203 = vector.broadcast %broadcast_in_dim3A_202 : i1 to vector<16xi1>
    %masked_cumsum3A_204 = tpu.scan <sum>, %convert_element_type3A_201 masked %broadcast_in_dim3A_203 : vector<16xi32>, vector<16xi1> -> vector<16xi32>
    %eq3A_205 = arith.constant 1 : i32
    %eq3A_206 = vector.broadcast %eq3A_205 : i32 to vector<16xi32>
    %eq3A_207 = arith.cmpi eq, %masked_cumsum3A_204, %eq3A_206 : vector<16xi32>
    %and3A_208 = arith.andi %ge3A_200, %eq3A_207 : vector<16xi1>
    %sub3A_209 = arith.constant 15 : i32
    %sub3A_210 = vector.broadcast %sub3A_209 : i32 to vector<16xi32>
    %sub3A_211 = arith.subi %sub3A_210, %iota3A : vector<16xi32>
    %jit3A_212 = arith.constant -1 : i32
    %broadcast_in_dim3A_213 = vector.broadcast %jit3A_212 : i32 to vector<16xi32>
    %select_n3A_214 = arith.select %and3A_208, %sub3A_211, %broadcast_in_dim3A_213 : vector<16xi1>, vector<16xi32>
    %reduce_max3A_215 = arith.constant true
    %reduce_max3A_216 = vector.broadcast %reduce_max3A_215 : i1 to vector<16xi1>
    %reduce_max3A_217 = arith.constant -2147483648 : i32
    %reduce_max3A_218 = vector.broadcast %reduce_max3A_217 : i32 to vector<16xi32>
    %reduce_max3A_219 = arith.xori %select_n3A_214, %reduce_max3A_218 : vector<16xi32>
    %reduce_max3A_220 = tpu.scan <max>, %reduce_max3A_219 masked %reduce_max3A_216 : vector<16xi32>, vector<16xi1> -> vector<16xi32>
    %reduce_max3A_221 = arith.xori %reduce_max3A_220, %reduce_max3A_218 : vector<16xi32>
    %reduce_max3A_222 = vector.extract %reduce_max3A_221[15] : i32 from vector<16xi32>
    %sub3A_223 = arith.subi %add3A_197, %rev3A_192 : vector<16xi32>
    %jit3A_224 = arith.constant -1 : i32
    %broadcast_in_dim3A_225 = vector.broadcast %jit3A_224 : i32 to vector<16xi32>
    %select_n3A_226 = arith.select %and3A_208, %sub3A_223, %broadcast_in_dim3A_225 : vector<16xi1>, vector<16xi32>
    %reduce_max3A_227 = arith.constant true
    %reduce_max3A_228 = vector.broadcast %reduce_max3A_227 : i1 to vector<16xi1>
    %reduce_max3A_229 = arith.constant -2147483648 : i32
    %reduce_max3A_230 = vector.broadcast %reduce_max3A_229 : i32 to vector<16xi32>
    %reduce_max3A_231 = arith.xori %select_n3A_226, %reduce_max3A_230 : vector<16xi32>
    %reduce_max3A_232 = tpu.scan <max>, %reduce_max3A_231 masked %reduce_max3A_228 : vector<16xi32>, vector<16xi1> -> vector<16xi32>
    %reduce_max3A_233 = arith.xori %reduce_max3A_232, %reduce_max3A_230 : vector<16xi32>
    %reduce_max3A_234 = vector.extract %reduce_max3A_233[15] : i32 from vector<16xi32>
    %mul3A_235 = arith.constant 16 : i32
    %mul3A_236 = arith.muli %add3A_183, %mul3A_235 : i32
    %add3A_237 = arith.addi %mul3A_236, %reduce_max3A_222 : i32
    %mul3A_238 = arith.constant 16 : i32
    %mul3A_239 = arith.muli %add3A_237, %mul3A_238 : i32
    %get3A_240 = arith.index_cast %mul3A_239 : i32 to index
    %get3A_241 = tpu.vector_load %arg8[%get3A_240] {strides = array<i32>} : memref<16384xi32, #tpu.memory_space<vmem>>, vector<16xi32>,
    %rev3A_242 = arith.constant 15 : i32
    %rev3A_243 = vector.broadcast %rev3A_242 : i32 to vector<16xi32>
    %rev3A_244 = tpu.iota {dimensions = array<i32: 0>} : vector<16xi32>
    %rev3A_245 = arith.subi %rev3A_243, %rev3A_244 : vector<16xi32>
    %rev3A_246 = tpu.dynamic_gather %get3A_241[%rev3A_245] in [0] : vector<16xi32>, vector<16xi32> -> vector<16xi32>
    %broadcast_in_dim3A_247 = arith.constant true
    %broadcast_in_dim3A_248 = vector.broadcast %broadcast_in_dim3A_247 : i1 to vector<16xi1>
    %masked_cumsum3A_249 = tpu.scan <sum>, %rev3A_246 masked %broadcast_in_dim3A_248 : vector<16xi32>, vector<16xi1> -> vector<16xi32>
    %add3A_250 = vector.broadcast %reduce_max3A_234 : i32 to vector<16xi32>
    %add3A_251 = arith.addi %masked_cumsum3A_249, %add3A_250 : vector<16xi32>
    %ge3A_252 = arith.constant 3276 : i32
    %ge3A_253 = vector.broadcast %ge3A_252 : i32 to vector<16xi32>
    %ge3A_254 = arith.cmpi sge, %add3A_251, %ge3A_253 : vector<16xi32>
    %convert_element_type3A_255 = arith.extui %ge3A_254 : vector<16xi1> to vector<16xi32>
    %broadcast_in_dim3A_256 = arith.constant true
    %broadcast_in_dim3A_257 = vector.broadcast %broadcast_in_dim3A_256 : i1 to vector<16xi1>
    %masked_cumsum3A_258 = tpu.scan <sum>, %convert_element_type3A_255 masked %broadcast_in_dim3A_257 : vector<16xi32>, vector<16xi1> -> vector<16xi32>
    %eq3A_259 = arith.constant 1 : i32
    %eq3A_260 = vector.broadcast %eq3A_259 : i32 to vector<16xi32>
    %eq3A_261 = arith.cmpi eq, %masked_cumsum3A_258, %eq3A_260 : vector<16xi32>
    %and3A_262 = arith.andi %ge3A_254, %eq3A_261 : vector<16xi1>
    %sub3A_263 = arith.constant 15 : i32
    %sub3A_264 = vector.broadcast %sub3A_263 : i32 to vector<16xi32>
    %sub3A_265 = arith.subi %sub3A_264, %iota3A : vector<16xi32>
    %jit3A_266 = arith.constant -1 : i32
    %broadcast_in_dim3A_267 = vector.broadcast %jit3A_266 : i32 to vector<16xi32>
    %select_n3A_268 = arith.select %and3A_262, %sub3A_265, %broadcast_in_dim3A_267 : vector<16xi1>, vector<16xi32>
    %reduce_max3A_269 = arith.constant true
    %reduce_max3A_270 = vector.broadcast %reduce_max3A_269 : i1 to vector<16xi1>
    %reduce_max3A_271 = arith.constant -2147483648 : i32
    %reduce_max3A_272 = vector.broadcast %reduce_max3A_271 : i32 to vector<16xi32>
    %reduce_max3A_273 = arith.xori %select_n3A_268, %reduce_max3A_272 : vector<16xi32>
    %reduce_max3A_274 = tpu.scan <max>, %reduce_max3A_273 masked %reduce_max3A_270 : vector<16xi32>, vector<16xi1> -> vector<16xi32>
    %reduce_max3A_275 = arith.xori %reduce_max3A_274, %reduce_max3A_272 : vector<16xi32>
    %reduce_max3A_276 = vector.extract %reduce_max3A_275[15] : i32 from vector<16xi32>
    %sub3A_277 = arith.subi %add3A_251, %rev3A_246 : vector<16xi32>
    %jit3A_278 = arith.constant -1 : i32
    %broadcast_in_dim3A_279 = vector.broadcast %jit3A_278 : i32 to vector<16xi32>
    %select_n3A_280 = arith.select %and3A_262, %sub3A_277, %broadcast_in_dim3A_279 : vector<16xi1>, vector<16xi32>
    %reduce_max3A_281 = arith.constant true
    %reduce_max3A_282 = vector.broadcast %reduce_max3A_281 : i1 to vector<16xi1>
    %reduce_max3A_283 = arith.constant -2147483648 : i32
    %reduce_max3A_284 = vector.broadcast %reduce_max3A_283 : i32 to vector<16xi32>
    %reduce_max3A_285 = arith.xori %select_n3A_280, %reduce_max3A_284 : vector<16xi32>
    %reduce_max3A_286 = tpu.scan <max>, %reduce_max3A_285 masked %reduce_max3A_282 : vector<16xi32>, vector<16xi1> -> vector<16xi32>
    %reduce_max3A_287 = arith.xori %reduce_max3A_286, %reduce_max3A_284 : vector<16xi32>
    %reduce_max3A_288 = vector.extract %reduce_max3A_287[15] : i32 from vector<16xi32>
    %mul3A_289 = arith.constant 16 : i32
    %mul3A_290 = arith.muli %add3A_237, %mul3A_289 : i32
    %add3A_291 = arith.addi %mul3A_290, %reduce_max3A_276 : i32
    %parallel_loop3A_292 = arith.constant 0 : i32
    %parallel_loop3A_293 = arith.constant 1024 : i32
    %parallel_loop3A_294 = arith.constant 1 : i32
    scf.for %parallel_loop3A_631 = %parallel_loop3A_292 to %parallel_loop3A_293 step %parallel_loop3A_294  : i32 {
      %parallel_loop3A_632 = arith.constant 16 : i32
      %parallel_loop3A_633 = arith.muli %parallel_loop3A_631, %parallel_loop3A_632 : i32
      %parallel_loop3A_634 = arith.index_cast %parallel_loop3A_633 : i32 to index
      %parallel_loop3A_635 = tpu.vector_load %arg8[%parallel_loop3A_634] {strides = array<i32>} : memref<16384xi32, #tpu.memory_space<vmem>>, vector<16xi32>,
      tpu.vector_store %arg8[%parallel_loop3A_634], %broadcast_in_dim3A_3 {strides = array<i32>} : memref<16384xi32, #tpu.memory_space<vmem>>, vector<16xi32>,
    } {sc.loop_unroll_factor = 8 : i64, sc.parallel_access}
    %shift_left3A = arith.constant 17 : i32
    %shift_left3A_295 = arith.shli %add3A_291, %shift_left3A : i32
    tpu.wait_dma2 semaphore(%arg20 : memref<!tpu.dma_semaphore, #tpu.memory_space<semaphore_mem>>) src(%arg3 : memref<32768xf32, #tpu.memory_space<hbm>>) dst(%arg7 : memref<32768xf32, #tpu.memory_space<vmem>>)
    %dma_wait3A_296 = arith.constant 0 : i32
    %dma_wait3A_297 = tpu.memref_slice %arg6[%dma_wait3A_296] : memref<32768xf32, #tpu.memory_space<vmem>> -> memref<16384xf32, #tpu.memory_space<vmem>>
    %dma_wait3A_298 = arith.constant 0 : i32
    %dma_wait3A_299 = tpu.memref_slice %arg2[%add3A_13, %dma_wait3A_298] : memref<64x32768xf32, #tpu.memory_space<hbm>> -> memref<1x16384xf32, #tpu.memory_space<hbm>>
    %dma_wait3A_300 = tpu.memref_squeeze %dma_wait3A_299 : memref<1x16384xf32, #tpu.memory_space<hbm>> -> memref<16384xf32, #tpu.memory_space<hbm>>
    %dma_wait3A_301 = arith.constant 0 : i32
    %dma_wait3A_302 = tpu.memref_slice %arg6[%dma_wait3A_301] : memref<32768xf32, #tpu.memory_space<vmem>> -> memref<16384xf32, #tpu.memory_space<vmem>>
    %dma_wait3A_303 = arith.constant 0 : i32
    %dma_wait3A_304 = tpu.memref_slice %arg2[%add3A_13, %dma_wait3A_303] : memref<64x32768xf32, #tpu.memory_space<hbm>> -> memref<1x16384xf32, #tpu.memory_space<hbm>>
    %dma_wait3A_305 = tpu.memref_squeeze %dma_wait3A_304 : memref<1x16384xf32, #tpu.memory_space<hbm>> -> memref<16384xf32, #tpu.memory_space<hbm>>
    tpu.wait_dma2 semaphore(%arg14 : memref<!tpu.dma_semaphore, #tpu.memory_space<semaphore_mem>>) src(%dma_wait3A_305 : memref<16384xf32, #tpu.memory_space<hbm>>) dst(%dma_wait3A_302 : memref<16384xf32, #tpu.memory_space<vmem>>)
    %parallel_loop3A_306 = arith.constant 0 : i32
    %parallel_loop3A_307 = arith.constant 1024 : i32
    %parallel_loop3A_308 = arith.constant 1 : i32
    scf.for %parallel_loop3A_631 = %parallel_loop3A_306 to %parallel_loop3A_307 step %parallel_loop3A_308  : i32 {
      %parallel_loop3A_632 = arith.constant 16 : i32
      %parallel_loop3A_633 = arith.muli %parallel_loop3A_631, %parallel_loop3A_632 : i32
      %parallel_loop3A_634 = arith.index_cast %parallel_loop3A_633 : i32 to index
      %parallel_loop3A_635 = tpu.vector_load %arg5[%parallel_loop3A_634] {strides = array<i32>} : memref<32768xf32, #tpu.memory_space<vmem>>, vector<16xf32>,
      %parallel_loop3A_636 = tpu.bitcast %parallel_loop3A_635 : vector<16xf32> -> vector<16xi32>
      %parallel_loop3A_637 = arith.constant 2147483647 : i32
      %parallel_loop3A_638 = vector.broadcast %parallel_loop3A_637 : i32 to vector<16xi32>
      %parallel_loop3A_639 = arith.andi %parallel_loop3A_636, %parallel_loop3A_638 : vector<16xi32>
      %parallel_loop3A_640 = tpu.bitcast %parallel_loop3A_639 : vector<16xi32> -> vector<16xf32>
      %parallel_loop3A_641 = arith.constant 16 : i32
      %parallel_loop3A_642 = arith.muli %parallel_loop3A_631, %parallel_loop3A_641 : i32
      %parallel_loop3A_643 = arith.index_cast %parallel_loop3A_642 : i32 to index
      %parallel_loop3A_644 = tpu.vector_load %arg7[%parallel_loop3A_643] {strides = array<i32>} : memref<32768xf32, #tpu.memory_space<vmem>>, vector<16xf32>,
      %parallel_loop3A_645 = arith.subf %parallel_loop3A_640, %parallel_loop3A_644 : vector<16xf32>
      %parallel_loop3A_646 = arith.constant 0.000000e+00 : f32
      %parallel_loop3A_647 = vector.broadcast %parallel_loop3A_646 : f32 to vector<16xf32>
      %parallel_loop3A_648 = arith.maximumf %parallel_loop3A_645, %parallel_loop3A_647 : vector<16xf32>
      %parallel_loop3A_649 = arith.constant -2147483648 : i32
      %parallel_loop3A_650 = vector.broadcast %parallel_loop3A_649 : i32 to vector<16xi32>
      %parallel_loop3A_651 = arith.andi %parallel_loop3A_636, %parallel_loop3A_650 : vector<16xi32>
      %parallel_loop3A_652 = tpu.bitcast %parallel_loop3A_648 : vector<16xf32> -> vector<16xi32>
      %parallel_loop3A_653 = arith.ori %parallel_loop3A_651, %parallel_loop3A_652 : vector<16xi32>
      %parallel_loop3A_654 = vector.broadcast %shift_left3A_295 : i32 to vector<16xi32>
      %parallel_loop3A_655 = arith.cmpi sge, %parallel_loop3A_639, %parallel_loop3A_654 : vector<16xi32>
      %parallel_loop3A_656 = arith.select %parallel_loop3A_655, %parallel_loop3A_636, %parallel_loop3A_653 : vector<16xi1>, vector<16xi32>
      %parallel_loop3A_657 = tpu.bitcast %parallel_loop3A_656 : vector<16xi32> -> vector<16xf32>
      %parallel_loop3A_658 = arith.constant 16 : i32
      %parallel_loop3A_659 = arith.muli %parallel_loop3A_631, %parallel_loop3A_658 : i32
      %parallel_loop3A_660 = arith.index_cast %parallel_loop3A_659 : i32 to index
      %parallel_loop3A_661 = tpu.vector_load %arg5[%parallel_loop3A_660] {strides = array<i32>} : memref<32768xf32, #tpu.memory_space<vmem>>, vector<16xf32>,
      tpu.vector_store %arg5[%parallel_loop3A_660], %parallel_loop3A_657 {strides = array<i32>} : memref<32768xf32, #tpu.memory_space<vmem>>, vector<16xf32>,
      %parallel_loop3A_662 = arith.constant 16 : i32
      %parallel_loop3A_663 = arith.muli %parallel_loop3A_631, %parallel_loop3A_662 : i32
      %parallel_loop3A_664 = arith.index_cast %parallel_loop3A_663 : i32 to index
      %parallel_loop3A_665 = tpu.vector_load %arg6[%parallel_loop3A_664] {strides = array<i32>} : memref<32768xf32, #tpu.memory_space<vmem>>, vector<16xf32>,
      %parallel_loop3A_666 = math.absf %parallel_loop3A_665 : vector<16xf32>
      %parallel_loop3A_667 = tpu.bitcast %parallel_loop3A_666 : vector<16xf32> -> vector<16xi32>
      %parallel_loop3A_668 = arith.constant 17 : i32
      %parallel_loop3A_669 = vector.broadcast %parallel_loop3A_668 : i32 to vector<16xi32>
      %parallel_loop3A_670 = arith.shrui %parallel_loop3A_667, %parallel_loop3A_669 : vector<16xi32>
      tpu.vector_store_idx %arg8[%parallel_loop3A_670], %broadcast_in_dim3A_1 {add = true} : memref<16384xi32, #tpu.memory_space<vmem>>[vector<16xi32>], vector<16xi32>,
    } {sc.loop_unroll_factor = 8 : i64, sc.parallel_access}
    %dma_start3A_309 = arith.constant 0 : i32
    %dma_start3A_310 = tpu.memref_slice %arg5[%dma_start3A_309] : memref<32768xf32, #tpu.memory_space<vmem>> -> memref<16384xf32, #tpu.memory_space<vmem>>
    %dma_start3A_311 = arith.constant 0 : i32
    %dma_start3A_312 = tpu.memref_slice %arg4[%add3A_9, %dma_start3A_311] : memref<64x32768xf32, #tpu.memory_space<hbm>> -> memref<1x16384xf32, #tpu.memory_space<hbm>>
    %dma_start3A_313 = tpu.memref_squeeze %dma_start3A_312 : memref<1x16384xf32, #tpu.memory_space<hbm>> -> memref<16384xf32, #tpu.memory_space<hbm>>
    %dma_start3A_314 = arith.constant 0 : i32
    %dma_start3A_315 = tpu.memref_slice %arg4[%add3A_9, %dma_start3A_314] : memref<64x32768xf32, #tpu.memory_space<hbm>> -> memref<1x16384xf32, #tpu.memory_space<hbm>>
    %dma_start3A_316 = tpu.memref_squeeze %dma_start3A_315 : memref<1x16384xf32, #tpu.memory_space<hbm>> -> memref<16384xf32, #tpu.memory_space<hbm>>
    %dma_start3A_317 = arith.constant 0 : i32
    %dma_start3A_318 = tpu.memref_slice %arg5[%dma_start3A_317] : memref<32768xf32, #tpu.memory_space<vmem>> -> memref<16384xf32, #tpu.memory_space<vmem>>
    tpu.enqueue_dma source(%dma_start3A_318 : memref<16384xf32, #tpu.memory_space<vmem>>) target(%dma_start3A_316 : memref<16384xf32, #tpu.memory_space<hbm>>) target_semaphore(%arg16 : memref<!tpu.dma_semaphore, #tpu.memory_space<semaphore_mem>>)
    %dma_wait3A_319 = arith.constant 16384 : i32
    %dma_wait3A_320 = tpu.memref_slice %arg6[%dma_wait3A_319] : memref<32768xf32, #tpu.memory_space<vmem>> -> memref<16384xf32, #tpu.memory_space<vmem>>
    %dma_wait3A_321 = arith.constant 16384 : i32
    %dma_wait3A_322 = tpu.memref_slice %arg2[%add3A_13, %dma_wait3A_321] : memref<64x32768xf32, #tpu.memory_space<hbm>> -> memref<1x16384xf32, #tpu.memory_space<hbm>>
    %dma_wait3A_323 = tpu.memref_squeeze %dma_wait3A_322 : memref<1x16384xf32, #tpu.memory_space<hbm>> -> memref<16384xf32, #tpu.memory_space<hbm>>
    %dma_wait3A_324 = arith.constant 16384 : i32
    %dma_wait3A_325 = tpu.memref_slice %arg6[%dma_wait3A_324] : memref<32768xf32, #tpu.memory_space<vmem>> -> memref<16384xf32, #tpu.memory_space<vmem>>
    %dma_wait3A_326 = arith.constant 16384 : i32
    %dma_wait3A_327 = tpu.memref_slice %arg2[%add3A_13, %dma_wait3A_326] : memref<64x32768xf32, #tpu.memory_space<hbm>> -> memref<1x16384xf32, #tpu.memory_space<hbm>>
    %dma_wait3A_328 = tpu.memref_squeeze %dma_wait3A_327 : memref<1x16384xf32, #tpu.memory_space<hbm>> -> memref<16384xf32, #tpu.memory_space<hbm>>
    tpu.wait_dma2 semaphore(%arg15 : memref<!tpu.dma_semaphore, #tpu.memory_space<semaphore_mem>>) src(%dma_wait3A_328 : memref<16384xf32, #tpu.memory_space<hbm>>) dst(%dma_wait3A_325 : memref<16384xf32, #tpu.memory_space<vmem>>)
    %parallel_loop3A_329 = arith.constant 1024 : i32
    %parallel_loop3A_330 = arith.constant 2048 : i32
    %parallel_loop3A_331 = arith.constant 1 : i32
    scf.for %parallel_loop3A_631 = %parallel_loop3A_329 to %parallel_loop3A_330 step %parallel_loop3A_331  : i32 {
      %parallel_loop3A_632 = arith.constant 16 : i32
      %parallel_loop3A_633 = arith.muli %parallel_loop3A_631, %parallel_loop3A_632 : i32
      %parallel_loop3A_634 = arith.index_cast %parallel_loop3A_633 : i32 to index
      %parallel_loop3A_635 = tpu.vector_load %arg5[%parallel_loop3A_634] {strides = array<i32>} : memref<32768xf32, #tpu.memory_space<vmem>>, vector<16xf32>,
      %parallel_loop3A_636 = tpu.bitcast %parallel_loop3A_635 : vector<16xf32> -> vector<16xi32>
      %parallel_loop3A_637 = arith.constant 2147483647 : i32
      %parallel_loop3A_638 = vector.broadcast %parallel_loop3A_637 : i32 to vector<16xi32>
      %parallel_loop3A_639 = arith.andi %parallel_loop3A_636, %parallel_loop3A_638 : vector<16xi32>
      %parallel_loop3A_640 = tpu.bitcast %parallel_loop3A_639 : vector<16xi32> -> vector<16xf32>
      %parallel_loop3A_641 = arith.constant 16 : i32
      %parallel_loop3A_642 = arith.muli %parallel_loop3A_631, %parallel_loop3A_641 : i32
      %parallel_loop3A_643 = arith.index_cast %parallel_loop3A_642 : i32 to index
      %parallel_loop3A_644 = tpu.vector_load %arg7[%parallel_loop3A_643] {strides = array<i32>} : memref<32768xf32, #tpu.memory_space<vmem>>, vector<16xf32>,
      %parallel_loop3A_645 = arith.subf %parallel_loop3A_640, %parallel_loop3A_644 : vector<16xf32>
      %parallel_loop3A_646 = arith.constant 0.000000e+00 : f32
      %parallel_loop3A_647 = vector.broadcast %parallel_loop3A_646 : f32 to vector<16xf32>
      %parallel_loop3A_648 = arith.maximumf %parallel_loop3A_645, %parallel_loop3A_647 : vector<16xf32>
      %parallel_loop3A_649 = arith.constant -2147483648 : i32
      %parallel_loop3A_650 = vector.broadcast %parallel_loop3A_649 : i32 to vector<16xi32>
      %parallel_loop3A_651 = arith.andi %parallel_loop3A_636, %parallel_loop3A_650 : vector<16xi32>
      %parallel_loop3A_652 = tpu.bitcast %parallel_loop3A_648 : vector<16xf32> -> vector<16xi32>
      %parallel_loop3A_653 = arith.ori %parallel_loop3A_651, %parallel_loop3A_652 : vector<16xi32>
      %parallel_loop3A_654 = vector.broadcast %shift_left3A_295 : i32 to vector<16xi32>
      %parallel_loop3A_655 = arith.cmpi sge, %parallel_loop3A_639, %parallel_loop3A_654 : vector<16xi32>
      %parallel_loop3A_656 = arith.select %parallel_loop3A_655, %parallel_loop3A_636, %parallel_loop3A_653 : vector<16xi1>, vector<16xi32>
      %parallel_loop3A_657 = tpu.bitcast %parallel_loop3A_656 : vector<16xi32> -> vector<16xf32>
      %parallel_loop3A_658 = arith.constant 16 : i32
      %parallel_loop3A_659 = arith.muli %parallel_loop3A_631, %parallel_loop3A_658 : i32
      %parallel_loop3A_660 = arith.index_cast %parallel_loop3A_659 : i32 to index
      %parallel_loop3A_661 = tpu.vector_load %arg5[%parallel_loop3A_660] {strides = array<i32>} : memref<32768xf32, #tpu.memory_space<vmem>>, vector<16xf32>,
      tpu.vector_store %arg5[%parallel_loop3A_660], %parallel_loop3A_657 {strides = array<i32>} : memref<32768xf32, #tpu.memory_space<vmem>>, vector<16xf32>,
      %parallel_loop3A_662 = arith.constant 16 : i32
      %parallel_loop3A_663 = arith.muli %parallel_loop3A_631, %parallel_loop3A_662 : i32
      %parallel_loop3A_664 = arith.index_cast %parallel_loop3A_663 : i32 to index
      %parallel_loop3A_665 = tpu.vector_load %arg6[%parallel_loop3A_664] {strides = array<i32>} : memref<32768xf32, #tpu.memory_space<vmem>>, vector<16xf32>,
      %parallel_loop3A_666 = math.absf %parallel_loop3A_665 : vector<16xf32>
      %parallel_loop3A_667 = tpu.bitcast %parallel_loop3A_666 : vector<16xf32> -> vector<16xi32>
      %parallel_loop3A_668 = arith.constant 17 : i32
      %parallel_loop3A_669 = vector.broadcast %parallel_loop3A_668 : i32 to vector<16xi32>
      %parallel_loop3A_670 = arith.shrui %parallel_loop3A_667, %parallel_loop3A_669 : vector<16xi32>
      tpu.vector_store_idx %arg8[%parallel_loop3A_670], %broadcast_in_dim3A_1 {add = true} : memref<16384xi32, #tpu.memory_space<vmem>>[vector<16xi32>], vector<16xi32>,
    } {sc.loop_unroll_factor = 8 : i64, sc.parallel_access}
    %dma_start3A_332 = arith.constant 16384 : i32
    %dma_start3A_333 = tpu.memref_slice %arg5[%dma_start3A_332] : memref<32768xf32, #tpu.memory_space<vmem>> -> memref<16384xf32, #tpu.memory_space<vmem>>
    %dma_start3A_334 = arith.constant 16384 : i32
    %dma_start3A_335 = tpu.memref_slice %arg4[%add3A_9, %dma_start3A_334] : memref<64x32768xf32, #tpu.memory_space<hbm>> -> memref<1x16384xf32, #tpu.memory_space<hbm>>
    %dma_start3A_336 = tpu.memref_squeeze %dma_start3A_335 : memref<1x16384xf32, #tpu.memory_space<hbm>> -> memref<16384xf32, #tpu.memory_space<hbm>>
    %dma_start3A_337 = arith.constant 16384 : i32
    %dma_start3A_338 = tpu.memref_slice %arg4[%add3A_9, %dma_start3A_337] : memref<64x32768xf32, #tpu.memory_space<hbm>> -> memref<1x16384xf32, #tpu.memory_space<hbm>>
    %dma_start3A_339 = tpu.memref_squeeze %dma_start3A_338 : memref<1x16384xf32, #tpu.memory_space<hbm>> -> memref<16384xf32, #tpu.memory_space<hbm>>
    %dma_start3A_340 = arith.constant 16384 : i32
    %dma_start3A_341 = tpu.memref_slice %arg5[%dma_start3A_340] : memref<32768xf32, #tpu.memory_space<vmem>> -> memref<16384xf32, #tpu.memory_space<vmem>>
    tpu.enqueue_dma source(%dma_start3A_341 : memref<16384xf32, #tpu.memory_space<vmem>>) target(%dma_start3A_339 : memref<16384xf32, #tpu.memory_space<hbm>>) target_semaphore(%arg17 : memref<!tpu.dma_semaphore, #tpu.memory_space<semaphore_mem>>)
    %parallel_loop3A_342 = arith.constant 0 : i32
    %parallel_loop3A_343 = arith.constant 1024 : i32
    %parallel_loop3A_344 = arith.constant 1 : i32
    scf.for %parallel_loop3A_631 = %parallel_loop3A_342 to %parallel_loop3A_343 step %parallel_loop3A_344  : i32 {
      %parallel_loop3A_632 = arith.constant 16 : i32
      %parallel_loop3A_633 = arith.muli %parallel_loop3A_631, %parallel_loop3A_632 : i32
      %parallel_loop3A_634 = arith.index_cast %parallel_loop3A_633 : i32 to index
      %parallel_loop3A_635 = tpu.vector_load %arg8[%parallel_loop3A_634] {strides = array<i32>} : memref<16384xi32, #tpu.memory_space<vmem>>, vector<16xi32>,
      %parallel_loop3A_636 = arith.constant true
      %parallel_loop3A_637 = vector.broadcast %parallel_loop3A_636 : i1 to vector<16xi1>
      %parallel_loop3A_638 = tpu.scan <sum>, %parallel_loop3A_635 masked %parallel_loop3A_637 : vector<16xi32>, vector<16xi1> -> vector<16xi32>
      %parallel_loop3A_639 = vector.extract %parallel_loop3A_638[15] : i32 from vector<16xi32>
      %parallel_loop3A_640 = vector.broadcast %parallel_loop3A_631 : i32 to vector<16xi32>
      %parallel_loop3A_641 = vector.broadcast %parallel_loop3A_639 : i32 to vector<16xi32>
      tpu.vector_store_idx %arg9[%parallel_loop3A_640], %parallel_loop3A_641 masked %eq3A_5 : memref<1024xi32, #tpu.memory_space<vmem>>[vector<16xi32>], vector<16xi32>, vector<16xi1>
    } {sc.loop_unroll_factor = 4 : i64, sc.parallel_access}
    %parallel_loop3A_345 = arith.constant 0 : i32
    %parallel_loop3A_346 = arith.constant 64 : i32
    %parallel_loop3A_347 = arith.constant 1 : i32
    scf.for %parallel_loop3A_631 = %parallel_loop3A_345 to %parallel_loop3A_346 step %parallel_loop3A_347  : i32 {
      %parallel_loop3A_632 = arith.constant 16 : i32
      %parallel_loop3A_633 = arith.muli %parallel_loop3A_631, %parallel_loop3A_632 : i32
      %parallel_loop3A_634 = arith.index_cast %parallel_loop3A_633 : i32 to index
      %parallel_loop3A_635 = tpu.vector_load %arg9[%parallel_loop3A_634] {strides = array<i32>} : memref<1024xi32, #tpu.memory_space<vmem>>, vector<16xi32>,
      %parallel_loop3A_636 = arith.constant true
      %parallel_loop3A_637 = vector.broadcast %parallel_loop3A_636 : i1 to vector<16xi1>
      %parallel_loop3A_638 = tpu.scan <sum>, %parallel_loop3A_635 masked %parallel_loop3A_637 : vector<16xi32>, vector<16xi1> -> vector<16xi32>
      %parallel_loop3A_639 = vector.extract %parallel_loop3A_638[15] : i32 from vector<16xi32>
      %parallel_loop3A_640 = vector.broadcast %parallel_loop3A_631 : i32 to vector<16xi32>
      %parallel_loop3A_641 = vector.broadcast %parallel_loop3A_639 : i32 to vector<16xi32>
      tpu.vector_store_idx %arg10[%parallel_loop3A_640], %parallel_loop3A_641 masked %eq3A_5 : memref<64xi32, #tpu.memory_space<vmem>>[vector<16xi32>], vector<16xi32>, vector<16xi1>
    } {sc.loop_unroll_factor = 4 : i64, sc.parallel_access}
    %parallel_loop3A_348 = arith.constant 0 : i32
    %parallel_loop3A_349 = arith.constant 4 : i32
    %parallel_loop3A_350 = arith.constant 1 : i32
    scf.for %parallel_loop3A_631 = %parallel_loop3A_348 to %parallel_loop3A_349 step %parallel_loop3A_350  : i32 {
      %parallel_loop3A_632 = arith.constant 16 : i32
      %parallel_loop3A_633 = arith.muli %parallel_loop3A_631, %parallel_loop3A_632 : i32
      %parallel_loop3A_634 = arith.index_cast %parallel_loop3A_633 : i32 to index
      %parallel_loop3A_635 = tpu.vector_load %arg10[%parallel_loop3A_634] {strides = array<i32>} : memref<64xi32, #tpu.memory_space<vmem>>, vector<16xi32>,
      %parallel_loop3A_636 = arith.constant true
      %parallel_loop3A_637 = vector.broadcast %parallel_loop3A_636 : i1 to vector<16xi1>
      %parallel_loop3A_638 = tpu.scan <sum>, %parallel_loop3A_635 masked %parallel_loop3A_637 : vector<16xi32>, vector<16xi1> -> vector<16xi32>
      %parallel_loop3A_639 = vector.extract %parallel_loop3A_638[15] : i32 from vector<16xi32>
      %parallel_loop3A_640 = vector.broadcast %parallel_loop3A_631 : i32 to vector<16xi32>
      %parallel_loop3A_641 = vector.broadcast %parallel_loop3A_639 : i32 to vector<16xi32>
      tpu.vector_store_idx %arg11[%parallel_loop3A_640], %parallel_loop3A_641 masked %eq3A_5 : memref<16xi32, #tpu.memory_space<vmem>>[vector<16xi32>], vector<16xi32>, vector<16xi1>
    } {sc.loop_unroll_factor = 1 : i64, sc.parallel_access}
    %get3A_351 = arith.constant 0 : index
    %get3A_352 = tpu.vector_load %arg11[%get3A_351] {strides = array<i32>} : memref<16xi32, #tpu.memory_space<vmem>>, vector<16xi32>,
    %rev3A_353 = arith.constant 15 : i32
    %rev3A_354 = vector.broadcast %rev3A_353 : i32 to vector<16xi32>
    %rev3A_355 = tpu.iota {dimensions = array<i32: 0>} : vector<16xi32>
    %rev3A_356 = arith.subi %rev3A_354, %rev3A_355 : vector<16xi32>
    %rev3A_357 = tpu.dynamic_gather %get3A_352[%rev3A_356] in [0] : vector<16xi32>, vector<16xi32> -> vector<16xi32>
    %broadcast_in_dim3A_358 = arith.constant true
    %broadcast_in_dim3A_359 = vector.broadcast %broadcast_in_dim3A_358 : i1 to vector<16xi1>
    %masked_cumsum3A_360 = tpu.scan <sum>, %rev3A_357 masked %broadcast_in_dim3A_359 : vector<16xi32>, vector<16xi1> -> vector<16xi32>
    %add3A_361 = arith.constant 0 : i32
    %add3A_362 = vector.broadcast %add3A_361 : i32 to vector<16xi32>
    %add3A_363 = arith.addi %masked_cumsum3A_360, %add3A_362 : vector<16xi32>
    %ge3A_364 = arith.constant 3276 : i32
    %ge3A_365 = vector.broadcast %ge3A_364 : i32 to vector<16xi32>
    %ge3A_366 = arith.cmpi sge, %add3A_363, %ge3A_365 : vector<16xi32>
    %convert_element_type3A_367 = arith.extui %ge3A_366 : vector<16xi1> to vector<16xi32>
    %broadcast_in_dim3A_368 = arith.constant true
    %broadcast_in_dim3A_369 = vector.broadcast %broadcast_in_dim3A_368 : i1 to vector<16xi1>
    %masked_cumsum3A_370 = tpu.scan <sum>, %convert_element_type3A_367 masked %broadcast_in_dim3A_369 : vector<16xi32>, vector<16xi1> -> vector<16xi32>
    %eq3A_371 = arith.constant 1 : i32
    %eq3A_372 = vector.broadcast %eq3A_371 : i32 to vector<16xi32>
    %eq3A_373 = arith.cmpi eq, %masked_cumsum3A_370, %eq3A_372 : vector<16xi32>
    %and3A_374 = arith.andi %ge3A_366, %eq3A_373 : vector<16xi1>
    %sub3A_375 = arith.constant 15 : i32
    %sub3A_376 = vector.broadcast %sub3A_375 : i32 to vector<16xi32>
    %sub3A_377 = arith.subi %sub3A_376, %iota3A : vector<16xi32>
    %jit3A_378 = arith.constant -1 : i32
    %broadcast_in_dim3A_379 = vector.broadcast %jit3A_378 : i32 to vector<16xi32>
    %select_n3A_380 = arith.select %and3A_374, %sub3A_377, %broadcast_in_dim3A_379 : vector<16xi1>, vector<16xi32>
    %reduce_max3A_381 = arith.constant true
    %reduce_max3A_382 = vector.broadcast %reduce_max3A_381 : i1 to vector<16xi1>
    %reduce_max3A_383 = arith.constant -2147483648 : i32
    %reduce_max3A_384 = vector.broadcast %reduce_max3A_383 : i32 to vector<16xi32>
    %reduce_max3A_385 = arith.xori %select_n3A_380, %reduce_max3A_384 : vector<16xi32>
    %reduce_max3A_386 = tpu.scan <max>, %reduce_max3A_385 masked %reduce_max3A_382 : vector<16xi32>, vector<16xi1> -> vector<16xi32>
    %reduce_max3A_387 = arith.xori %reduce_max3A_386, %reduce_max3A_384 : vector<16xi32>
    %reduce_max3A_388 = vector.extract %reduce_max3A_387[15] : i32 from vector<16xi32>
    %sub3A_389 = arith.subi %add3A_363, %rev3A_357 : vector<16xi32>
    %jit3A_390 = arith.constant -1 : i32
    %broadcast_in_dim3A_391 = vector.broadcast %jit3A_390 : i32 to vector<16xi32>
    %select_n3A_392 = arith.select %and3A_374, %sub3A_389, %broadcast_in_dim3A_391 : vector<16xi1>, vector<16xi32>
    %reduce_max3A_393 = arith.constant true
    %reduce_max3A_394 = vector.broadcast %reduce_max3A_393 : i1 to vector<16xi1>
    %reduce_max3A_395 = arith.constant -2147483648 : i32
    %reduce_max3A_396 = vector.broadcast %reduce_max3A_395 : i32 to vector<16xi32>
    %reduce_max3A_397 = arith.xori %select_n3A_392, %reduce_max3A_396 : vector<16xi32>
    %reduce_max3A_398 = tpu.scan <max>, %reduce_max3A_397 masked %reduce_max3A_394 : vector<16xi32>, vector<16xi1> -> vector<16xi32>
    %reduce_max3A_399 = arith.xori %reduce_max3A_398, %reduce_max3A_396 : vector<16xi32>
    %reduce_max3A_400 = vector.extract %reduce_max3A_399[15] : i32 from vector<16xi32>
    %mul3A_401 = arith.constant 16 : i32
    %mul3A_402 = arith.muli %reduce_max3A_388, %mul3A_401 : i32
    %get3A_403 = arith.index_cast %mul3A_402 : i32 to index
    %get3A_404 = tpu.vector_load %arg10[%get3A_403] {strides = array<i32>} : memref<64xi32, #tpu.memory_space<vmem>>, vector<16xi32>,
    %rev3A_405 = arith.constant 15 : i32
    %rev3A_406 = vector.broadcast %rev3A_405 : i32 to vector<16xi32>
    %rev3A_407 = tpu.iota {dimensions = array<i32: 0>} : vector<16xi32>
    %rev3A_408 = arith.subi %rev3A_406, %rev3A_407 : vector<16xi32>
    %rev3A_409 = tpu.dynamic_gather %get3A_404[%rev3A_408] in [0] : vector<16xi32>, vector<16xi32> -> vector<16xi32>
    %broadcast_in_dim3A_410 = arith.constant true
    %broadcast_in_dim3A_411 = vector.broadcast %broadcast_in_dim3A_410 : i1 to vector<16xi1>
    %masked_cumsum3A_412 = tpu.scan <sum>, %rev3A_409 masked %broadcast_in_dim3A_411 : vector<16xi32>, vector<16xi1> -> vector<16xi32>
    %add3A_413 = vector.broadcast %reduce_max3A_400 : i32 to vector<16xi32>
    %add3A_414 = arith.addi %masked_cumsum3A_412, %add3A_413 : vector<16xi32>
    %ge3A_415 = arith.constant 3276 : i32
    %ge3A_416 = vector.broadcast %ge3A_415 : i32 to vector<16xi32>
    %ge3A_417 = arith.cmpi sge, %add3A_414, %ge3A_416 : vector<16xi32>
    %convert_element_type3A_418 = arith.extui %ge3A_417 : vector<16xi1> to vector<16xi32>
    %broadcast_in_dim3A_419 = arith.constant true
    %broadcast_in_dim3A_420 = vector.broadcast %broadcast_in_dim3A_419 : i1 to vector<16xi1>
    %masked_cumsum3A_421 = tpu.scan <sum>, %convert_element_type3A_418 masked %broadcast_in_dim3A_420 : vector<16xi32>, vector<16xi1> -> vector<16xi32>
    %eq3A_422 = arith.constant 1 : i32
    %eq3A_423 = vector.broadcast %eq3A_422 : i32 to vector<16xi32>
    %eq3A_424 = arith.cmpi eq, %masked_cumsum3A_421, %eq3A_423 : vector<16xi32>
    %and3A_425 = arith.andi %ge3A_417, %eq3A_424 : vector<16xi1>
    %sub3A_426 = arith.constant 15 : i32
    %sub3A_427 = vector.broadcast %sub3A_426 : i32 to vector<16xi32>
    %sub3A_428 = arith.subi %sub3A_427, %iota3A : vector<16xi32>
    %jit3A_429 = arith.constant -1 : i32
    %broadcast_in_dim3A_430 = vector.broadcast %jit3A_429 : i32 to vector<16xi32>
    %select_n3A_431 = arith.select %and3A_425, %sub3A_428, %broadcast_in_dim3A_430 : vector<16xi1>, vector<16xi32>
    %reduce_max3A_432 = arith.constant true
    %reduce_max3A_433 = vector.broadcast %reduce_max3A_432 : i1 to vector<16xi1>
    %reduce_max3A_434 = arith.constant -2147483648 : i32
    %reduce_max3A_435 = vector.broadcast %reduce_max3A_434 : i32 to vector<16xi32>
    %reduce_max3A_436 = arith.xori %select_n3A_431, %reduce_max3A_435 : vector<16xi32>
    %reduce_max3A_437 = tpu.scan <max>, %reduce_max3A_436 masked %reduce_max3A_433 : vector<16xi32>, vector<16xi1> -> vector<16xi32>
    %reduce_max3A_438 = arith.xori %reduce_max3A_437, %reduce_max3A_435 : vector<16xi32>
    %reduce_max3A_439 = vector.extract %reduce_max3A_438[15] : i32 from vector<16xi32>
    %sub3A_440 = arith.subi %add3A_414, %rev3A_409 : vector<16xi32>
    %jit3A_441 = arith.constant -1 : i32
    %broadcast_in_dim3A_442 = vector.broadcast %jit3A_441 : i32 to vector<16xi32>
    %select_n3A_443 = arith.select %and3A_425, %sub3A_440, %broadcast_in_dim3A_442 : vector<16xi1>, vector<16xi32>
    %reduce_max3A_444 = arith.constant true
    %reduce_max3A_445 = vector.broadcast %reduce_max3A_444 : i1 to vector<16xi1>
    %reduce_max3A_446 = arith.constant -2147483648 : i32
    %reduce_max3A_447 = vector.broadcast %reduce_max3A_446 : i32 to vector<16xi32>
    %reduce_max3A_448 = arith.xori %select_n3A_443, %reduce_max3A_447 : vector<16xi32>
    %reduce_max3A_449 = tpu.scan <max>, %reduce_max3A_448 masked %reduce_max3A_445 : vector<16xi32>, vector<16xi1> -> vector<16xi32>
    %reduce_max3A_450 = arith.xori %reduce_max3A_449, %reduce_max3A_447 : vector<16xi32>
    %reduce_max3A_451 = vector.extract %reduce_max3A_450[15] : i32 from vector<16xi32>
    %mul3A_452 = arith.constant 16 : i32
    %mul3A_453 = arith.muli %reduce_max3A_388, %mul3A_452 : i32
    %add3A_454 = arith.addi %mul3A_453, %reduce_max3A_439 : i32
    %mul3A_455 = arith.constant 16 : i32
    %mul3A_456 = arith.muli %add3A_454, %mul3A_455 : i32
    %get3A_457 = arith.index_cast %mul3A_456 : i32 to index
    %get3A_458 = tpu.vector_load %arg9[%get3A_457] {strides = array<i32>} : memref<1024xi32, #tpu.memory_space<vmem>>, vector<16xi32>,
    %rev3A_459 = arith.constant 15 : i32
    %rev3A_460 = vector.broadcast %rev3A_459 : i32 to vector<16xi32>
    %rev3A_461 = tpu.iota {dimensions = array<i32: 0>} : vector<16xi32>
    %rev3A_462 = arith.subi %rev3A_460, %rev3A_461 : vector<16xi32>
    %rev3A_463 = tpu.dynamic_gather %get3A_458[%rev3A_462] in [0] : vector<16xi32>, vector<16xi32> -> vector<16xi32>
    %broadcast_in_dim3A_464 = arith.constant true
    %broadcast_in_dim3A_465 = vector.broadcast %broadcast_in_dim3A_464 : i1 to vector<16xi1>
    %masked_cumsum3A_466 = tpu.scan <sum>, %rev3A_463 masked %broadcast_in_dim3A_465 : vector<16xi32>, vector<16xi1> -> vector<16xi32>
    %add3A_467 = vector.broadcast %reduce_max3A_451 : i32 to vector<16xi32>
    %add3A_468 = arith.addi %masked_cumsum3A_466, %add3A_467 : vector<16xi32>
    %ge3A_469 = arith.constant 3276 : i32
    %ge3A_470 = vector.broadcast %ge3A_469 : i32 to vector<16xi32>
    %ge3A_471 = arith.cmpi sge, %add3A_468, %ge3A_470 : vector<16xi32>
    %convert_element_type3A_472 = arith.extui %ge3A_471 : vector<16xi1> to vector<16xi32>
    %broadcast_in_dim3A_473 = arith.constant true
    %broadcast_in_dim3A_474 = vector.broadcast %broadcast_in_dim3A_473 : i1 to vector<16xi1>
    %masked_cumsum3A_475 = tpu.scan <sum>, %convert_element_type3A_472 masked %broadcast_in_dim3A_474 : vector<16xi32>, vector<16xi1> -> vector<16xi32>
    %eq3A_476 = arith.constant 1 : i32
    %eq3A_477 = vector.broadcast %eq3A_476 : i32 to vector<16xi32>
    %eq3A_478 = arith.cmpi eq, %masked_cumsum3A_475, %eq3A_477 : vector<16xi32>
    %and3A_479 = arith.andi %ge3A_471, %eq3A_478 : vector<16xi1>
    %sub3A_480 = arith.constant 15 : i32
    %sub3A_481 = vector.broadcast %sub3A_480 : i32 to vector<16xi32>
    %sub3A_482 = arith.subi %sub3A_481, %iota3A : vector<16xi32>
    %jit3A_483 = arith.constant -1 : i32
    %broadcast_in_dim3A_484 = vector.broadcast %jit3A_483 : i32 to vector<16xi32>
    %select_n3A_485 = arith.select %and3A_479, %sub3A_482, %broadcast_in_dim3A_484 : vector<16xi1>, vector<16xi32>
    %reduce_max3A_486 = arith.constant true
    %reduce_max3A_487 = vector.broadcast %reduce_max3A_486 : i1 to vector<16xi1>
    %reduce_max3A_488 = arith.constant -2147483648 : i32
    %reduce_max3A_489 = vector.broadcast %reduce_max3A_488 : i32 to vector<16xi32>
    %reduce_max3A_490 = arith.xori %select_n3A_485, %reduce_max3A_489 : vector<16xi32>
    %reduce_max3A_491 = tpu.scan <max>, %reduce_max3A_490 masked %reduce_max3A_487 : vector<16xi32>, vector<16xi1> -> vector<16xi32>
    %reduce_max3A_492 = arith.xori %reduce_max3A_491, %reduce_max3A_489 : vector<16xi32>
    %reduce_max3A_493 = vector.extract %reduce_max3A_492[15] : i32 from vector<16xi32>
    %sub3A_494 = arith.subi %add3A_468, %rev3A_463 : vector<16xi32>
    %jit3A_495 = arith.constant -1 : i32
    %broadcast_in_dim3A_496 = vector.broadcast %jit3A_495 : i32 to vector<16xi32>
    %select_n3A_497 = arith.select %and3A_479, %sub3A_494, %broadcast_in_dim3A_496 : vector<16xi1>, vector<16xi32>
    %reduce_max3A_498 = arith.constant true
    %reduce_max3A_499 = vector.broadcast %reduce_max3A_498 : i1 to vector<16xi1>
    %reduce_max3A_500 = arith.constant -2147483648 : i32
    %reduce_max3A_501 = vector.broadcast %reduce_max3A_500 : i32 to vector<16xi32>
    %reduce_max3A_502 = arith.xori %select_n3A_497, %reduce_max3A_501 : vector<16xi32>
    %reduce_max3A_503 = tpu.scan <max>, %reduce_max3A_502 masked %reduce_max3A_499 : vector<16xi32>, vector<16xi1> -> vector<16xi32>
    %reduce_max3A_504 = arith.xori %reduce_max3A_503, %reduce_max3A_501 : vector<16xi32>
    %reduce_max3A_505 = vector.extract %reduce_max3A_504[15] : i32 from vector<16xi32>
    %mul3A_506 = arith.constant 16 : i32
    %mul3A_507 = arith.muli %add3A_454, %mul3A_506 : i32
    %add3A_508 = arith.addi %mul3A_507, %reduce_max3A_493 : i32
    %mul3A_509 = arith.constant 16 : i32
    %mul3A_510 = arith.muli %add3A_508, %mul3A_509 : i32
    %get3A_511 = arith.index_cast %mul3A_510 : i32 to index
    %get3A_512 = tpu.vector_load %arg8[%get3A_511] {strides = array<i32>} : memref<16384xi32, #tpu.memory_space<vmem>>, vector<16xi32>,
    %rev3A_513 = arith.constant 15 : i32
    %rev3A_514 = vector.broadcast %rev3A_513 : i32 to vector<16xi32>
    %rev3A_515 = tpu.iota {dimensions = array<i32: 0>} : vector<16xi32>
    %rev3A_516 = arith.subi %rev3A_514, %rev3A_515 : vector<16xi32>
    %rev3A_517 = tpu.dynamic_gather %get3A_512[%rev3A_516] in [0] : vector<16xi32>, vector<16xi32> -> vector<16xi32>
    %broadcast_in_dim3A_518 = arith.constant true
    %broadcast_in_dim3A_519 = vector.broadcast %broadcast_in_dim3A_518 : i1 to vector<16xi1>
    %masked_cumsum3A_520 = tpu.scan <sum>, %rev3A_517 masked %broadcast_in_dim3A_519 : vector<16xi32>, vector<16xi1> -> vector<16xi32>
    %add3A_521 = vector.broadcast %reduce_max3A_505 : i32 to vector<16xi32>
    %add3A_522 = arith.addi %masked_cumsum3A_520, %add3A_521 : vector<16xi32>
    %ge3A_523 = arith.constant 3276 : i32
    %ge3A_524 = vector.broadcast %ge3A_523 : i32 to vector<16xi32>
    %ge3A_525 = arith.cmpi sge, %add3A_522, %ge3A_524 : vector<16xi32>
    %convert_element_type3A_526 = arith.extui %ge3A_525 : vector<16xi1> to vector<16xi32>
    %broadcast_in_dim3A_527 = arith.constant true
    %broadcast_in_dim3A_528 = vector.broadcast %broadcast_in_dim3A_527 : i1 to vector<16xi1>
    %masked_cumsum3A_529 = tpu.scan <sum>, %convert_element_type3A_526 masked %broadcast_in_dim3A_528 : vector<16xi32>, vector<16xi1> -> vector<16xi32>
    %eq3A_530 = arith.constant 1 : i32
    %eq3A_531 = vector.broadcast %eq3A_530 : i32 to vector<16xi32>
    %eq3A_532 = arith.cmpi eq, %masked_cumsum3A_529, %eq3A_531 : vector<16xi32>
    %and3A_533 = arith.andi %ge3A_525, %eq3A_532 : vector<16xi1>
    %sub3A_534 = arith.constant 15 : i32
    %sub3A_535 = vector.broadcast %sub3A_534 : i32 to vector<16xi32>
    %sub3A_536 = arith.subi %sub3A_535, %iota3A : vector<16xi32>
    %jit3A_537 = arith.constant -1 : i32
    %broadcast_in_dim3A_538 = vector.broadcast %jit3A_537 : i32 to vector<16xi32>
    %select_n3A_539 = arith.select %and3A_533, %sub3A_536, %broadcast_in_dim3A_538 : vector<16xi1>, vector<16xi32>
    %reduce_max3A_540 = arith.constant true
    %reduce_max3A_541 = vector.broadcast %reduce_max3A_540 : i1 to vector<16xi1>
    %reduce_max3A_542 = arith.constant -2147483648 : i32
    %reduce_max3A_543 = vector.broadcast %reduce_max3A_542 : i32 to vector<16xi32>
    %reduce_max3A_544 = arith.xori %select_n3A_539, %reduce_max3A_543 : vector<16xi32>
    %reduce_max3A_545 = tpu.scan <max>, %reduce_max3A_544 masked %reduce_max3A_541 : vector<16xi32>, vector<16xi1> -> vector<16xi32>
    %reduce_max3A_546 = arith.xori %reduce_max3A_545, %reduce_max3A_543 : vector<16xi32>
    %reduce_max3A_547 = vector.extract %reduce_max3A_546[15] : i32 from vector<16xi32>
    %sub3A_548 = arith.subi %add3A_522, %rev3A_517 : vector<16xi32>
    %jit3A_549 = arith.constant -1 : i32
    %broadcast_in_dim3A_550 = vector.broadcast %jit3A_549 : i32 to vector<16xi32>
    %select_n3A_551 = arith.select %and3A_533, %sub3A_548, %broadcast_in_dim3A_550 : vector<16xi1>, vector<16xi32>
    %reduce_max3A_552 = arith.constant true
    %reduce_max3A_553 = vector.broadcast %reduce_max3A_552 : i1 to vector<16xi1>
    %reduce_max3A_554 = arith.constant -2147483648 : i32
    %reduce_max3A_555 = vector.broadcast %reduce_max3A_554 : i32 to vector<16xi32>
    %reduce_max3A_556 = arith.xori %select_n3A_551, %reduce_max3A_555 : vector<16xi32>
    %reduce_max3A_557 = tpu.scan <max>, %reduce_max3A_556 masked %reduce_max3A_553 : vector<16xi32>, vector<16xi1> -> vector<16xi32>
    %reduce_max3A_558 = arith.xori %reduce_max3A_557, %reduce_max3A_555 : vector<16xi32>
    %reduce_max3A_559 = vector.extract %reduce_max3A_558[15] : i32 from vector<16xi32>
    %mul3A_560 = arith.constant 16 : i32
    %mul3A_561 = arith.muli %add3A_508, %mul3A_560 : i32
    %add3A_562 = arith.addi %mul3A_561, %reduce_max3A_547 : i32
    %shift_left3A_563 = arith.constant 17 : i32
    %shift_left3A_564 = arith.shli %add3A_562, %shift_left3A_563 : i32
    %parallel_loop3A_565 = arith.constant 0 : i32
    %parallel_loop3A_566 = arith.constant 1024 : i32
    %parallel_loop3A_567 = arith.constant 1 : i32
    scf.for %parallel_loop3A_631 = %parallel_loop3A_565 to %parallel_loop3A_566 step %parallel_loop3A_567  : i32 {
      %parallel_loop3A_632 = arith.constant 16 : i32
      %parallel_loop3A_633 = arith.muli %parallel_loop3A_631, %parallel_loop3A_632 : i32
      %parallel_loop3A_634 = arith.index_cast %parallel_loop3A_633 : i32 to index
      %parallel_loop3A_635 = tpu.vector_load %arg6[%parallel_loop3A_634] {strides = array<i32>} : memref<32768xf32, #tpu.memory_space<vmem>>, vector<16xf32>,
      %parallel_loop3A_636 = tpu.bitcast %parallel_loop3A_635 : vector<16xf32> -> vector<16xi32>
      %parallel_loop3A_637 = arith.constant 2147483647 : i32
      %parallel_loop3A_638 = vector.broadcast %parallel_loop3A_637 : i32 to vector<16xi32>
      %parallel_loop3A_639 = arith.andi %parallel_loop3A_636, %parallel_loop3A_638 : vector<16xi32>
      %parallel_loop3A_640 = tpu.bitcast %parallel_loop3A_639 : vector<16xi32> -> vector<16xf32>
      %parallel_loop3A_641 = arith.constant 16 : i32
      %parallel_loop3A_642 = arith.muli %parallel_loop3A_631, %parallel_loop3A_641 : i32
      %parallel_loop3A_643 = arith.index_cast %parallel_loop3A_642 : i32 to index
      %parallel_loop3A_644 = tpu.vector_load %arg7[%parallel_loop3A_643] {strides = array<i32>} : memref<32768xf32, #tpu.memory_space<vmem>>, vector<16xf32>,
      %parallel_loop3A_645 = arith.subf %parallel_loop3A_640, %parallel_loop3A_644 : vector<16xf32>
      %parallel_loop3A_646 = arith.constant 0.000000e+00 : f32
      %parallel_loop3A_647 = vector.broadcast %parallel_loop3A_646 : f32 to vector<16xf32>
      %parallel_loop3A_648 = arith.maximumf %parallel_loop3A_645, %parallel_loop3A_647 : vector<16xf32>
      %parallel_loop3A_649 = arith.constant -2147483648 : i32
      %parallel_loop3A_650 = vector.broadcast %parallel_loop3A_649 : i32 to vector<16xi32>
      %parallel_loop3A_651 = arith.andi %parallel_loop3A_636, %parallel_loop3A_650 : vector<16xi32>
      %parallel_loop3A_652 = tpu.bitcast %parallel_loop3A_648 : vector<16xf32> -> vector<16xi32>
      %parallel_loop3A_653 = arith.ori %parallel_loop3A_651, %parallel_loop3A_652 : vector<16xi32>
      %parallel_loop3A_654 = vector.broadcast %shift_left3A_564 : i32 to vector<16xi32>
      %parallel_loop3A_655 = arith.cmpi sge, %parallel_loop3A_639, %parallel_loop3A_654 : vector<16xi32>
      %parallel_loop3A_656 = arith.select %parallel_loop3A_655, %parallel_loop3A_636, %parallel_loop3A_653 : vector<16xi1>, vector<16xi32>
      %parallel_loop3A_657 = tpu.bitcast %parallel_loop3A_656 : vector<16xi32> -> vector<16xf32>
      %parallel_loop3A_658 = arith.constant 16 : i32
      %parallel_loop3A_659 = arith.muli %parallel_loop3A_631, %parallel_loop3A_658 : i32
      %parallel_loop3A_660 = arith.index_cast %parallel_loop3A_659 : i32 to index
      %parallel_loop3A_661 = tpu.vector_load %arg6[%parallel_loop3A_660] {strides = array<i32>} : memref<32768xf32, #tpu.memory_space<vmem>>, vector<16xf32>,
      tpu.vector_store %arg6[%parallel_loop3A_660], %parallel_loop3A_657 {strides = array<i32>} : memref<32768xf32, #tpu.memory_space<vmem>>, vector<16xf32>,
    } {sc.loop_unroll_factor = 8 : i64, sc.parallel_access}
    %dma_start3A_568 = arith.constant 0 : i32
    %dma_start3A_569 = tpu.memref_slice %arg6[%dma_start3A_568] : memref<32768xf32, #tpu.memory_space<vmem>> -> memref<16384xf32, #tpu.memory_space<vmem>>
    %dma_start3A_570 = arith.constant 0 : i32
    %dma_start3A_571 = tpu.memref_slice %arg4[%add3A_13, %dma_start3A_570] : memref<64x32768xf32, #tpu.memory_space<hbm>> -> memref<1x16384xf32, #tpu.memory_space<hbm>>
    %dma_start3A_572 = tpu.memref_squeeze %dma_start3A_571 : memref<1x16384xf32, #tpu.memory_space<hbm>> -> memref<16384xf32, #tpu.memory_space<hbm>>
    %dma_start3A_573 = arith.constant 0 : i32
    %dma_start3A_574 = tpu.memref_slice %arg4[%add3A_13, %dma_start3A_573] : memref<64x32768xf32, #tpu.memory_space<hbm>> -> memref<1x16384xf32, #tpu.memory_space<hbm>>
    %dma_start3A_575 = tpu.memref_squeeze %dma_start3A_574 : memref<1x16384xf32, #tpu.memory_space<hbm>> -> memref<16384xf32, #tpu.memory_space<hbm>>
    %dma_start3A_576 = arith.constant 0 : i32
    %dma_start3A_577 = tpu.memref_slice %arg6[%dma_start3A_576] : memref<32768xf32, #tpu.memory_space<vmem>> -> memref<16384xf32, #tpu.memory_space<vmem>>
    tpu.enqueue_dma source(%dma_start3A_577 : memref<16384xf32, #tpu.memory_space<vmem>>) target(%dma_start3A_575 : memref<16384xf32, #tpu.memory_space<hbm>>) target_semaphore(%arg18 : memref<!tpu.dma_semaphore, #tpu.memory_space<semaphore_mem>>)
    %parallel_loop3A_578 = arith.constant 1024 : i32
    %parallel_loop3A_579 = arith.constant 2048 : i32
    %parallel_loop3A_580 = arith.constant 1 : i32
    scf.for %parallel_loop3A_631 = %parallel_loop3A_578 to %parallel_loop3A_579 step %parallel_loop3A_580  : i32 {
      %parallel_loop3A_632 = arith.constant 16 : i32
      %parallel_loop3A_633 = arith.muli %parallel_loop3A_631, %parallel_loop3A_632 : i32
      %parallel_loop3A_634 = arith.index_cast %parallel_loop3A_633 : i32 to index
      %parallel_loop3A_635 = tpu.vector_load %arg6[%parallel_loop3A_634] {strides = array<i32>} : memref<32768xf32, #tpu.memory_space<vmem>>, vector<16xf32>,
      %parallel_loop3A_636 = tpu.bitcast %parallel_loop3A_635 : vector<16xf32> -> vector<16xi32>
      %parallel_loop3A_637 = arith.constant 2147483647 : i32
      %parallel_loop3A_638 = vector.broadcast %parallel_loop3A_637 : i32 to vector<16xi32>
      %parallel_loop3A_639 = arith.andi %parallel_loop3A_636, %parallel_loop3A_638 : vector<16xi32>
      %parallel_loop3A_640 = tpu.bitcast %parallel_loop3A_639 : vector<16xi32> -> vector<16xf32>
      %parallel_loop3A_641 = arith.constant 16 : i32
      %parallel_loop3A_642 = arith.muli %parallel_loop3A_631, %parallel_loop3A_641 : i32
      %parallel_loop3A_643 = arith.index_cast %parallel_loop3A_642 : i32 to index
      %parallel_loop3A_644 = tpu.vector_load %arg7[%parallel_loop3A_643] {strides = array<i32>} : memref<32768xf32, #tpu.memory_space<vmem>>, vector<16xf32>,
      %parallel_loop3A_645 = arith.subf %parallel_loop3A_640, %parallel_loop3A_644 : vector<16xf32>
      %parallel_loop3A_646 = arith.constant 0.000000e+00 : f32
      %parallel_loop3A_647 = vector.broadcast %parallel_loop3A_646 : f32 to vector<16xf32>
      %parallel_loop3A_648 = arith.maximumf %parallel_loop3A_645, %parallel_loop3A_647 : vector<16xf32>
      %parallel_loop3A_649 = arith.constant -2147483648 : i32
      %parallel_loop3A_650 = vector.broadcast %parallel_loop3A_649 : i32 to vector<16xi32>
      %parallel_loop3A_651 = arith.andi %parallel_loop3A_636, %parallel_loop3A_650 : vector<16xi32>
      %parallel_loop3A_652 = tpu.bitcast %parallel_loop3A_648 : vector<16xf32> -> vector<16xi32>
      %parallel_loop3A_653 = arith.ori %parallel_loop3A_651, %parallel_loop3A_652 : vector<16xi32>
      %parallel_loop3A_654 = vector.broadcast %shift_left3A_564 : i32 to vector<16xi32>
      %parallel_loop3A_655 = arith.cmpi sge, %parallel_loop3A_639, %parallel_loop3A_654 : vector<16xi32>
      %parallel_loop3A_656 = arith.select %parallel_loop3A_655, %parallel_loop3A_636, %parallel_loop3A_653 : vector<16xi1>, vector<16xi32>
      %parallel_loop3A_657 = tpu.bitcast %parallel_loop3A_656 : vector<16xi32> -> vector<16xf32>
      %parallel_loop3A_658 = arith.constant 16 : i32
      %parallel_loop3A_659 = arith.muli %parallel_loop3A_631, %parallel_loop3A_658 : i32
      %parallel_loop3A_660 = arith.index_cast %parallel_loop3A_659 : i32 to index
      %parallel_loop3A_661 = tpu.vector_load %arg6[%parallel_loop3A_660] {strides = array<i32>} : memref<32768xf32, #tpu.memory_space<vmem>>, vector<16xf32>,
      tpu.vector_store %arg6[%parallel_loop3A_660], %parallel_loop3A_657 {strides = array<i32>} : memref<32768xf32, #tpu.memory_space<vmem>>, vector<16xf32>,
    } {sc.loop_unroll_factor = 8 : i64, sc.parallel_access}
    %dma_start3A_581 = arith.constant 16384 : i32
    %dma_start3A_582 = tpu.memref_slice %arg6[%dma_start3A_581] : memref<32768xf32, #tpu.memory_space<vmem>> -> memref<16384xf32, #tpu.memory_space<vmem>>
    %dma_start3A_583 = arith.constant 16384 : i32
    %dma_start3A_584 = tpu.memref_slice %arg4[%add3A_13, %dma_start3A_583] : memref<64x32768xf32, #tpu.memory_space<hbm>> -> memref<1x16384xf32, #tpu.memory_space<hbm>>
    %dma_start3A_585 = tpu.memref_squeeze %dma_start3A_584 : memref<1x16384xf32, #tpu.memory_space<hbm>> -> memref<16384xf32, #tpu.memory_space<hbm>>
    %dma_start3A_586 = arith.constant 16384 : i32
    %dma_start3A_587 = tpu.memref_slice %arg4[%add3A_13, %dma_start3A_586] : memref<64x32768xf32, #tpu.memory_space<hbm>> -> memref<1x16384xf32, #tpu.memory_space<hbm>>
    %dma_start3A_588 = tpu.memref_squeeze %dma_start3A_587 : memref<1x16384xf32, #tpu.memory_space<hbm>> -> memref<16384xf32, #tpu.memory_space<hbm>>
    %dma_start3A_589 = arith.constant 16384 : i32
    %dma_start3A_590 = tpu.memref_slice %arg6[%dma_start3A_589] : memref<32768xf32, #tpu.memory_space<vmem>> -> memref<16384xf32, #tpu.memory_space<vmem>>
    tpu.enqueue_dma source(%dma_start3A_590 : memref<16384xf32, #tpu.memory_space<vmem>>) target(%dma_start3A_588 : memref<16384xf32, #tpu.memory_space<hbm>>) target_semaphore(%arg19 : memref<!tpu.dma_semaphore, #tpu.memory_space<semaphore_mem>>)
    %dma_wait3A_591 = arith.constant 0 : i32
    %dma_wait3A_592 = tpu.memref_slice %arg5[%dma_wait3A_591] : memref<32768xf32, #tpu.memory_space<vmem>> -> memref<16384xf32, #tpu.memory_space<vmem>>
    %dma_wait3A_593 = arith.constant 0 : i32
    %dma_wait3A_594 = tpu.memref_slice %arg4[%add3A_9, %dma_wait3A_593] : memref<64x32768xf32, #tpu.memory_space<hbm>> -> memref<1x16384xf32, #tpu.memory_space<hbm>>
    %dma_wait3A_595 = tpu.memref_squeeze %dma_wait3A_594 : memref<1x16384xf32, #tpu.memory_space<hbm>> -> memref<16384xf32, #tpu.memory_space<hbm>>
    %dma_wait3A_596 = arith.constant 0 : i32
    %dma_wait3A_597 = tpu.memref_slice %arg4[%add3A_9, %dma_wait3A_596] : memref<64x32768xf32, #tpu.memory_space<hbm>> -> memref<1x16384xf32, #tpu.memory_space<hbm>>
    %dma_wait3A_598 = tpu.memref_squeeze %dma_wait3A_597 : memref<1x16384xf32, #tpu.memory_space<hbm>> -> memref<16384xf32, #tpu.memory_space<hbm>>
    %dma_wait3A_599 = arith.constant 0 : i32
    %dma_wait3A_600 = tpu.memref_slice %arg5[%dma_wait3A_599] : memref<32768xf32, #tpu.memory_space<vmem>> -> memref<16384xf32, #tpu.memory_space<vmem>>
    tpu.wait_dma2 semaphore(%arg16 : memref<!tpu.dma_semaphore, #tpu.memory_space<semaphore_mem>>) src(%dma_wait3A_600 : memref<16384xf32, #tpu.memory_space<vmem>>) dst(%dma_wait3A_598 : memref<16384xf32, #tpu.memory_space<hbm>>)
    %dma_wait3A_601 = arith.constant 16384 : i32
    %dma_wait3A_602 = tpu.memref_slice %arg5[%dma_wait3A_601] : memref<32768xf32, #tpu.memory_space<vmem>> -> memref<16384xf32, #tpu.memory_space<vmem>>
    %dma_wait3A_603 = arith.constant 16384 : i32
    %dma_wait3A_604 = tpu.memref_slice %arg4[%add3A_9, %dma_wait3A_603] : memref<64x32768xf32, #tpu.memory_space<hbm>> -> memref<1x16384xf32, #tpu.memory_space<hbm>>
    %dma_wait3A_605 = tpu.memref_squeeze %dma_wait3A_604 : memref<1x16384xf32, #tpu.memory_space<hbm>> -> memref<16384xf32, #tpu.memory_space<hbm>>
    %dma_wait3A_606 = arith.constant 16384 : i32
    %dma_wait3A_607 = tpu.memref_slice %arg4[%add3A_9, %dma_wait3A_606] : memref<64x32768xf32, #tpu.memory_space<hbm>> -> memref<1x16384xf32, #tpu.memory_space<hbm>>
    %dma_wait3A_608 = tpu.memref_squeeze %dma_wait3A_607 : memref<1x16384xf32, #tpu.memory_space<hbm>> -> memref<16384xf32, #tpu.memory_space<hbm>>
    %dma_wait3A_609 = arith.constant 16384 : i32
    %dma_wait3A_610 = tpu.memref_slice %arg5[%dma_wait3A_609] : memref<32768xf32, #tpu.memory_space<vmem>> -> memref<16384xf32, #tpu.memory_space<vmem>>
    tpu.wait_dma2 semaphore(%arg17 : memref<!tpu.dma_semaphore, #tpu.memory_space<semaphore_mem>>) src(%dma_wait3A_610 : memref<16384xf32, #tpu.memory_space<vmem>>) dst(%dma_wait3A_608 : memref<16384xf32, #tpu.memory_space<hbm>>)
    %dma_wait3A_611 = arith.constant 0 : i32
    %dma_wait3A_612 = tpu.memref_slice %arg6[%dma_wait3A_611] : memref<32768xf32, #tpu.memory_space<vmem>> -> memref<16384xf32, #tpu.memory_space<vmem>>
    %dma_wait3A_613 = arith.constant 0 : i32
    %dma_wait3A_614 = tpu.memref_slice %arg4[%add3A_13, %dma_wait3A_613] : memref<64x32768xf32, #tpu.memory_space<hbm>> -> memref<1x16384xf32, #tpu.memory_space<hbm>>
    %dma_wait3A_615 = tpu.memref_squeeze %dma_wait3A_614 : memref<1x16384xf32, #tpu.memory_space<hbm>> -> memref<16384xf32, #tpu.memory_space<hbm>>
    %dma_wait3A_616 = arith.constant 0 : i32
    %dma_wait3A_617 = tpu.memref_slice %arg4[%add3A_13, %dma_wait3A_616] : memref<64x32768xf32, #tpu.memory_space<hbm>> -> memref<1x16384xf32, #tpu.memory_space<hbm>>
    %dma_wait3A_618 = tpu.memref_squeeze %dma_wait3A_617 : memref<1x16384xf32, #tpu.memory_space<hbm>> -> memref<16384xf32, #tpu.memory_space<hbm>>
    %dma_wait3A_619 = arith.constant 0 : i32
    %dma_wait3A_620 = tpu.memref_slice %arg6[%dma_wait3A_619] : memref<32768xf32, #tpu.memory_space<vmem>> -> memref<16384xf32, #tpu.memory_space<vmem>>
    tpu.wait_dma2 semaphore(%arg18 : memref<!tpu.dma_semaphore, #tpu.memory_space<semaphore_mem>>) src(%dma_wait3A_620 : memref<16384xf32, #tpu.memory_space<vmem>>) dst(%dma_wait3A_618 : memref<16384xf32, #tpu.memory_space<hbm>>)
    %dma_wait3A_621 = arith.constant 16384 : i32
    %dma_wait3A_622 = tpu.memref_slice %arg6[%dma_wait3A_621] : memref<32768xf32, #tpu.memory_space<vmem>> -> memref<16384xf32, #tpu.memory_space<vmem>>
    %dma_wait3A_623 = arith.constant 16384 : i32
    %dma_wait3A_624 = tpu.memref_slice %arg4[%add3A_13, %dma_wait3A_623] : memref<64x32768xf32, #tpu.memory_space<hbm>> -> memref<1x16384xf32, #tpu.memory_space<hbm>>
    %dma_wait3A_625 = tpu.memref_squeeze %dma_wait3A_624 : memref<1x16384xf32, #tpu.memory_space<hbm>> -> memref<16384xf32, #tpu.memory_space<hbm>>
    %dma_wait3A_626 = arith.constant 16384 : i32
    %dma_wait3A_627 = tpu.memref_slice %arg4[%add3A_13, %dma_wait3A_626] : memref<64x32768xf32, #tpu.memory_space<hbm>> -> memref<1x16384xf32, #tpu.memory_space<hbm>>
    %dma_wait3A_628 = tpu.memref_squeeze %dma_wait3A_627 : memref<1x16384xf32, #tpu.memory_space<hbm>> -> memref<16384xf32, #tpu.memory_space<hbm>>
    %dma_wait3A_629 = arith.constant 16384 : i32
    %dma_wait3A_630 = tpu.memref_slice %arg6[%dma_wait3A_629] : memref<32768xf32, #tpu.memory_space<vmem>> -> memref<16384xf32, #tpu.memory_space<vmem>>
    tpu.wait_dma2 semaphore(%arg19 : memref<!tpu.dma_semaphore, #tpu.memory_space<semaphore_mem>>) src(%dma_wait3A_630 : memref<16384xf32, #tpu.memory_space<vmem>>) dst(%dma_wait3A_628 : memref<16384xf32, #tpu.memory_space<hbm>>)
    return
  }
}

</mosaic_0001>

<sc_bundles>
// kernel: kernel.3.cloned.1.call-start
scs
__scs_entry_jumppad:
0x0: {  	(pc) =	sbr.rel $0x88, $3  }
0x1: {  	(tag) =	ssettag $0x0;
	lr =	simm.s32 $0x1  }
0x2: {  	[smem:$0x3F9F] =	sst lr;
	_ =	strace $0xD0000000  }
0x3: {  	_ = 	snop  }
0x4: {  	_ = 	snop  }
0x5: {  	_ = 	snop  }
0x6: {  	_ = 	snop  }
0x7: {  	_ = 	snop  }
__scs_overlays_trampoline_lowered:
0x8: {  	[smem:$0x3FAE] =	sst s0  }
0x9: {  	[smem:$0x3FAF] =	sst s1  }
0xa: {  	[smem:$0x3FB0] =	sst s2  }
0xb: {  	[smem:$0x3FB1] =	sst s3  }
0xc: {  	[smem:$0x3FB2] =	sst s4  }
0xd: {  	[smem:$0x3FB3] =	sst s5  }
0xe: {  	[smem:$0x3FB4] =	sst s6  }
0xf: {  	[smem:$0x3FB5] =	sst s7  }
0x10: {  	[smem:$0x3FB6] =	sst s8  }
0x11: {  	[smem:$0x3FB7] =	sst s9;
	s0 =	simm.s32 @!p0 $0x0  }
0x12: {  	s1 =	sld [smem:$0x3F9D];
	s0 =	simm.s32 @p0 $0x1  }
0x13: {  	[smem:$0x3FB8] =	sst s0;
	s0 =	simm.s32 @!p1 $0x0  }
0x14: {  	s2 =	sld [smem:$0x3F9C];
	s0 =	simm.s32 @p1 $0x1  }
0x15: {  	[smem:$0x3FB9] =	sst s0;
	s0 =	simm.s32 @!p2 $0x0  }
0x16: {  	s3 =	sld [smem:$0x3FDB];
	s0 =	simm.s32 @p2 $0x1  }
0x17: {  	s4 =	simm.s32 $0x1BF5;
	[smem:$0x3FBB] =	sst s0  }
0x18: {  	s0 =	sld [smem:$0x3F9E];
	_ =	swait.ge [sflag:s4], $0x0  }
0x19: {  	s7 =	sld [smem:$0x3F9F]  }
0x1a: {  	s8 =	sadd.s32 $0xFFFFE003, lr  }
0x1b: {  	s9 =	sadd.s32 $0xFFFFFEF7, lr;
	s5 =	simm.s32 $0xFFFFFFFF;
	p2 =	slt.u32 s8, $0xFFFFF086  }
0x1c: {  	p1 =	slt.u32 s9, $0xF7A;
	s5 =	simm.s32 @!p2 $0x0  }
0x1d: {  	s5 =	simm.s32 @p1 $0x1;
	p0 =	seq.s32 s7, s2  }
0x1e: {  	s7 =	smul.u32 @!p0 $0xF7A, s2;
	p2 =	seq.s32 @!p0 s5, $0x0  }
0x1f: {  	s9 =	smul.u32 $0xF7A, s1;
	s8 =	simm.s32 @!p0 $0x1BF5;
	p2 =	por !p2, p0  }
0x20: {  	[sflag:s8] =	ssyncset.s32 @!p0 $0xFFFFF086;
	s6 =	sadd.s32 @!p0 s3, s7;
	s7 =	simm.s32 @!p0 $0x108  }
0x21: {  	s3 =	sadd.s32 s3, s9;
	s6 =	sadd.s32 @!p0 $0x88, s6;
	s7 =	simm.s32 @p2 $0x1082  }
0x22: {  	[simem:s7], [sflag:s8] =	dma.local @!p0 [hbm:s6], $0xF7A  }
0x23: {  	s9 =	sor.u32 $0xD0000000, s2;
	s6 =	simm.s32 $0x108;
	_ =	swait.ge @!p0 [sflag:s8], $0x0  }
0x24: {  	s3 =	sadd.s32 $0x88, s3;
	s6 =	simm.s32 @!p1 $0x1082;
	[sflag:s4] =	ssyncset.s32 $0xFFFFF086  }
0x25: {  	[simem:s6], [sflag:s4] =	dma.local [hbm:s3], $0xF7A  }
0x26: {  	[smem:$0x3F9F] =	sst s1;
	(tag) =	ssettag s2;
	_ =	strace s9  }
0x27: {  	s1 =	sld [smem:$0x3FAF]  }
0x28: {  	s2 =	sld [smem:$0x3FB0]  }
0x29: {  	s4 =	sld [smem:$0x3FB2]  }
0x2a: {  	p0 =	seq.s32 s5, $0x0;
	s5 =	sld [smem:$0x3FB3]  }
0x2b: {  	s6 =	sld [smem:$0x3FB4]  }
0x2c: {  	s7 =	sld [smem:$0x3FB5]  }
0x2d: {  	s3 =	simm.s32 $0x108;
	s8 =	sld [smem:$0x3FB6]  }
0x2e: {  	s3 =	simm.s32 @!p0 $0x1082;
	s9 =	sld [smem:$0x3FB7]  }
0x2f: {  	lr =	sadd.s32 s0, s3;
	s0 =	sld [smem:$0x3FAE]  }
0x30: {  	s3 =	sld [smem:$0x3FB1]  }
0x31: {  	[smem:$0x3FBA] =	sst s10  }
0x32: {  	s10 =	sld [smem:$0x3FB8];
	_ =	sdelay $0x3  }
0x33: {  	p0 =	seq.s32 s10, $0x1;
	s10 =	sld [smem:$0x3FBA];
	_ =	sdelay $0x3  }
0x34: {  	[smem:$0x3FBA] =	sst s10  }
0x35: {  	s10 =	sld [smem:$0x3FB9];
	_ =	sdelay $0x3  }
0x36: {  	p1 =	seq.s32 s10, $0x1;
	s10 =	sld [smem:$0x3FBA];
	_ =	sdelay $0x3  }
0x37: {  	[smem:$0x3FBA] =	sst s10  }
0x38: {  	s10 =	sld [smem:$0x3FBB]  }
0x39: {  	_ = 	snop;
	(pc) =	sbr.ind lr, $3  }
0x3a: {  	_ = 	snop  }
0x3b: {  	_ = 	snop  }
0x3c: {  	p2 =	seq.s32 s10, $0x1;
	s10 =	sld [smem:$0x3FBA]  }
0x3d: {  	_ =	shalt  }
0x3e: {  	_ =	shalt  }
0x3f: {  	_ =	shalt  }
0x40: {  	_ =	shalt  }
0x41: {  	_ =	shalt  }
0x42: {  	_ =	shalt  }
0x43: {  	_ =	shalt  }
0x44: {  	_ =	shalt  }
0x45: {  	_ =	shalt  }
0x46: {  	_ =	shalt  }
0x47: {  	_ =	shalt  }
0x48: {  	_ =	shalt  }
0x49: {  	_ =	shalt  }
0x4a: {  	_ =	shalt  }
0x4b: {  	_ =	shalt  }
0x4c: {  	_ =	shalt  }
0x4d: {  	_ =	shalt  }
0x4e: {  	_ =	shalt  }
0x4f: {  	_ =	shalt  }
0x50: {  	_ =	shalt  }
0x51: {  	_ =	shalt  }
0x52: {  	_ =	shalt  }
0x53: {  	_ =	shalt  }
0x54: {  	_ =	shalt  }
0x55: {  	_ =	shalt  }
0x56: {  	_ =	shalt  }
0x57: {  	_ =	shalt  }
0x58: {  	_ =	shalt  }
0x59: {  	_ =	shalt  }
0x5a: {  	_ =	shalt  }
0x5b: {  	_ =	shalt  }
0x5c: {  	_ =	shalt  }
0x5d: {  	_ =	shalt  }
0x5e: {  	_ =	shalt  }
0x5f: {  	_ =	shalt  }
0x60: {  	_ =	shalt  }
0x61: {  	_ =	shalt  }
0x62: {  	_ =	shalt  }
0x63: {  	_ =	shalt  }
0x64: {  	_ =	shalt  }
0x65: {  	_ =	shalt  }
0x66: {  	_ =	shalt  }
0x67: {  	_ =	shalt  }
0x68: {  	_ =	shalt  }
0x69: {  	_ =	shalt  }
0x6a: {  	_ =	shalt  }
0x6b: {  	_ =	shalt  }
0x6c: {  	_ =	shalt  }
0x6d: {  	_ =	shalt  }
0x6e: {  	_ =	shalt  }
0x6f: {  	_ =	shalt  }
0x70: {  	_ =	shalt  }
0x71: {  	_ =	shalt  }
0x72: {  	_ =	shalt  }
0x73: {  	_ =	shalt  }
0x74: {  	_ =	shalt  }
0x75: {  	_ =	shalt  }
0x76: {  	_ =	shalt  }
0x77: {  	_ =	shalt  }
0x78: {  	_ =	shalt  }
0x79: {  	_ =	shalt  }
0x7a: {  	_ =	shalt  }
0x7b: {  	_ =	shalt  }
0x7c: {  	_ =	shalt  }
0x7d: {  	_ =	shalt  }
0x7e: {  	_ =	shalt  }
0x7f: {  	_ =	shalt  }
0x80: {  	_ =	shalt  }
0x81: {  	_ =	shalt  }
0x82: {  	_ =	shalt  }
0x83: {  	_ =	shalt  }
0x84: {  	_ =	shalt  }
0x85: {  	_ =	shalt  }
0x86: {  	_ =	shalt  }
0x87: {  	_ =	shalt  }
.Lfunc_end0:
.L_simem_size_0:
called_computation_lowered:
.L_overlay_start_0:
0x88: {  	s2 =	sld [smem:$0x3FD9]  }
0x89: {  	s3 =	sld [smem:$0x3FFE];
	_ =	sdelay $0x1  }
0x8a: {  	s1 =	srdreg.scid  }
0x8b: {  	s0 =	sand.u32 $0x1, s1  }
0x8c: {  	s18 =	sshll.u32 s0, $0xA;
	s2 =	sadd.s32 s3, s2  }
0x8d: {  	s2 =	sadd.s32 s2, s18  }
0x8e: {  	[smem:$0x3FC6] =	sst s2  }
0x8f: {  	_ = 	snop  }
0x90: {  	s2 =	sld [smem:$0x3FC9]  }
0x91: {  	s19 =	sld [smem:$0x3FC8]  }
0x92: {  	s4 =	sld [smem:$0x3FD0];
	(tm) =	ssettm $0x1  }
0x93: {  	s5 =	sld [smem:$0x3FFB];
	_ =	sdelay $0x3  }
0x94: {  	_ =	strace s5  }
0x95: {  	s5 =	sld [smem:$0x3FFC];
	_ =	sdelay $0x3  }
0x96: {  	_ =	strace s5  }
0x97: {  	s5 =	sld [smem:$0x3FFD];
	_ =	sdelay $0x3  }
0x98: {  	_ =	strace s5  }
0x99: {  	_ =	strace $0x8FFFFFFF  }
0x9a: {  	s20 =	sld [smem:$0x3FDB];
	_ =	sdelay $0x1  }
0x9b: {  	s6 =	simm.s32 $_scs_section_size  }
0x9c: {  	s7 =	simm.s32 $_size__tile_overlayer_lowered;
	s8 =	simm.s32 $_tile_overlayer_lowered  }
0x9d: {  	s23 =	simm.s32 $0x1BFF;
	s22 =	sshll.u32 s8, $0x1;
	s5 =	sadd.s32 s6, s20  }
0x9e: {  	s9 =	simm.s32 $0x0;
	s21 =	sshll.u32 s7, $0x1;
	s7 =	sadd.s32 s22, s5  }
0x9f: {  	[timem:s9], [sflag:s23] =	dma.local [hbm:s7], s21  }
0xa0: {  	_ =	swait.ge [sflag:s23], s21  }
0xa1: {  	s6 =	ssub.s32 $0x0, s21;
	[sflag:s23] =	ssyncset.done $0x0  }
0xa2: {  	[sflag:s23] =	ssyncadd.s32 s6;
	_ =	sdelay $0x1  }
0xa3: {  	s24 =	simm.s32 $0x1B8B  }
0xa4: {  	_ =	swait.ge [sflag:s24], $0x1  }
0xa5: {  	[sflag:s24] =	ssyncset.done $0x0  }
0xa6: {  	s25 =	simm.s32 $0x1B8E;
	[sflag:s24] =	ssyncadd.s32 $0xFFFFFFFF  }
0xa7: {  	s26 =	simm.s32 $execute0_lowered;
	[smem:$0x3FD2] =	sst s25  }
0xa8: {  	s6 =	sshll.u32 s26, $0x1;
	_ =	strace $0x80000046;
	[dreg:$0x1] =	wrdreg $0xFFFFFFFF  }
0xa9: {  	s28 =	simm.s32 $_size_execute0_lowered;
	s5 =	sadd.s32 s5, s6;
	[dreg:$0x0] =	wrdreg $0x0  }
0xaa: {  	s6 =	sshll.u32 s28, $0x1;
	[dreg:$0x2] =	wrdreg s5  }
0xab: {  	[dreg:$0x3] =	wrdreg s6  }
0xac: {  	[dreg:$0x4] =	wrdreg $0xC0  }
0xad: {  	_ =	task [dreg:s9], $0x5FFFF  }
0xae: {  	[dreg:$0x1] =	wrdreg $0xFFFFFFFF  }
0xaf: {  	[dreg:$0x0] =	wrdreg $0x60  }
0xb0: {  	[dreg:$0x2] =	wrdreg s2  }
0xb1: {  	[dreg:$0x3] =	wrdreg s19  }
0xb2: {  	[dreg:$0x4] =	wrdreg s4  }
0xb3: {  	[dreg:$0x5] =	wrdreg $0x9  }
0xb4: {  	_ =	task.clear_ibuf [dreg:s9], $0x6FFFF;
	_ =	strace $0x90000046  }
0xb5: {  	s29 =	simm.s32 $0x9;
	_ =	strace $0x80000048  }
0xb6: {  	_ =	swait.ge [sflag:s29], $0x1  }
0xb7: {  	[sflag:s29] =	ssyncadd.s32 $0xFFFFFFFF  }
0xb8: {  	_ =	strace $0x90000048  }
0xb9: {  	_ =	sfence  }
0xba: {  	s30 =	sld [smem:$0x0];
	_ =	sdelay $0x2  }
0xbb: {  	s31 =	sshll.u32 s1, $0xD;
	s1 =	sshrl.u32 s1, $0x2  }
0xbc: {  	s3 =	sand.u32 $0x4000, s31;
	s1 =	sadd.s32 s1, s30  }
0xbd: {  	s0 =	sor.u32 s3, s0;
	s1 =	sshll.u32 s1, $0x11  }
0xbe: {  	s0 =	sor.u32 s1, s0  }
0xbf: {  	s0 =	sadd.s32 $0x8F2B, s0  }
0xc0: {  	[sflag:s0] =	ssyncadd.remote.s32 $0x1  }
0xc1: {  	_ =	sfence.sel $0xFFFF  }
0xc2: {  	[dreg:$0x0] =	wrdreg $0xFFFFFFFF;
	(pc) =	sbr.abs _section_cstart, $3  }
0xc3: {  	[dreg:$0x1] =	wrdreg $0xFFFFFFFF  }
0xc4: {  	_ =	task.clear_ibuf [dreg:s9], $0x2FFFF;
	_ =	strace $0x9FFFFFFF  }
0xc5: {  	(tm) =	ssettm $0x7FFFFFFF  }
tec
execute0_lowered:
.L_overlay_start_1:
0x0: {  	(tag) =	ssettag $0x1  }
0x1: {  	s0 =	rddreg [dreg:$0x0]  }
0x2: {  	s1 =	rddreg [dreg:$0x2]  }
0x3: {  	s2 =	srdreg.scid;
	s5 =	stileid.u32  }
0x4: {  	s6 =	simm.s32 $0x0;
	s13 =	simm.s32 $0x80;
	s14 =	simm.s32 $0x400  }
0x5: {  	s18 =	simm.s32 $0x4000;
	s19 =	simm.s32 $0x1;
	s20 =	simm.s32 $0x18000  }
0x6: {  	s21 =	simm.s32 $0x2;
	s22 =	simm.s32 $0x1C000;
	s23 =	simm.s32 $0x1C480  }
0x7: {  	s24 =	simm.s32 $0x9;
	s28 =	simm.s32 $0x5;
	s29 =	simm.s32 $0x6  }
0x8: {  	s30 =	simm.s32 $0x7;
	s31 =	simm.s32 $0x8;
	s2 =	sand.u32 $0x1, s2  }
0x9: {  	s3 =	sshll.u32 s5, $0x6;
	s5 =	sshll.u32 s5, $0xE;
	[smem:$0x7FF] =	sst s6  }
0xa: {  	s4 =	sshll.u32 s2, $0x5;
	s3 =	sand.u32 $0x40, s3;
	s2 =	ssub.s32 $0x2, s2  }
0xb: {  	s5 =	sand.u32 $0x38000, s5;
	_ =	strace $0x80000047;
	s3 =	sor.u32 s4, s3  }
0xc: {  	s25 =	sshrl.u32 s2, $0x1;
	s4 =	simm.s32 $0xC000;
	s3 =	sor.u32 s5, s3  }
0xd: {  	s2 =	ssub.s32 s2, s25;
	s25 =	simm.s32 $0x3;
	s26 =	sadd.s32 s0, s3  }
0xe: {  	s9 =	sor.u32 $0x4000, s3;
	s10 =	sor.u32 $0x10, s3;
	s11 =	sor.u32 $0x4010, s3  }
0xf: {  	v0 =	vlaneseq.u32;
	s8 =	sadd.s32 s1, s3;
	s12 =	smax.u32 s2, $0x1;
	s3 =	simm.s32 $0x8000  }
0x10: {  	v3 =	vmul.u32 $0xFFFFFFFF, v0;
	[dreg:$0x4] =	wrdreg s26;
	s5 =	sadd.s32 s0, s9;
	s6 =	sadd.s32 s0, s10  }
0x11: {  	v1 =	vimm.s32 $0x1;
	s7 =	sadd.s32 s0, s11;
	s9 =	sadd.s32 s1, s9;
	s10 =	sadd.s32 s1, s10  }
0x12: {  	v0 =	vimm.s32 $0x0;
	v2 =	vadd.s32 $0xF, v3;
	v3 =	vadd.s32 $0x8000000F, v3;
	s11 =	sadd.s32 s1, s11;
	s26 =	simm.s32 $0x4;
	s0 =	simm.s32 $0x0  }
.LBB2_1:
0x13: {  	s2 =	simm.s32 $0x0;
	s1 =	rddreg [dreg:$0x4]  }
0x14: {  	[tilespmem:s2], [sflag:$0x1] =	stream.strided.gather [hbm4b:s1+s13], $0x4000, s14, s13, $0x38;
	[tilespmem:$0x1C500] =	vst v63  }
0x15: {  	_ = 	snop  }
0x16: {  	[tilespmem:s18], [sflag:$0x2] =	stream.strided.gather [hbm4b:s5+s13], $0x4000, s14, s13, $0x38;
	[tilespmem:$0x1C500] =	vst v63  }
0x17: {  	_ = 	snop  }
0x18: {  	[tilespmem:s3], [sflag:$0x3] =	stream.strided.gather [hbm4b:s6+s13], $0x4000, s14, s13, $0x38;
	[tilespmem:$0x1C500] =	vst v63  }
0x19: {  	_ = 	snop  }
0x1a: {  	[tilespmem:s4], [sflag:$0x4] =	stream.strided.gather [hbm4b:s7+s13], $0x4000, s14, s13, $0x38;
	[tilespmem:$0x1C500] =	vst v63  }
0x1b: {  	s17 =	rddreg [dreg:$0x1];
	s18 =	simm.s32 $0x10000  }
0x1c: {  	[tilespmem:s18], [sflag:$0x9] =	stream.linear.gather [hbm4b:s17+s2], $0x8000, $0x38;
	[tilespmem:$0x1C500] =	vst v63  }
0x1d: {  	s1 =	simm.s32 $0x18040;
	[tilespmem:$0x1C480] =	vst v0  }
0x1e: {  	[tilespmem:s1+$0xFFFFFFC0] =	vst v0  }
0x1f: {  	[tilespmem:s1+$0x30] =	vst v0  }
0x20: {  	[tilespmem:s1+$0x20] =	vst v0  }
0x21: {  	[tilespmem:s1+$0x10] =	vst v0  }
0x22: {  	[tilespmem:s1+$0x0] =	vst v0  }
0x23: {  	[tilespmem:s1+$0xFFFFFFF0] =	vst v0  }
0x24: {  	s2 =	simm.s32 $0x0;
	[tilespmem:s1+$0xFFFFFFE0] =	vst v0  }
.LBB2_2:
0x25: {  	s2 =	sadd.s32 $0x8, s2;
	[tilespmem:s1+$0xFFFFFFD0] =	vst v0;
	s1 =	sadd.s32 $0x80, s1  }
0x26: {  	[tilespmem:s1+$0xFFFFFFC0] =	vst v0;
	p0 =	slt.u32 s2, $0x3F8  }
0x27: {  	[tilespmem:s1+$0x30] =	vst v0  }
.Ltmp0:
0x28: {  	[tilespmem:s1+$0x20] =	vst v0;
	(pc) =	sbr.rel @p0 .LBB2_2-.Ltmp0, $4  }
0x29: {  	[tilespmem:s1+$0x10] =	vst v0  }
0x2a: {  	[tilespmem:s1+$0x0] =	vst v0  }
0x2b: {  	[tilespmem:s1+$0xFFFFFFF0] =	vst v0  }
0x2c: {  	[tilespmem:s1+$0xFFFFFFE0] =	vst v0  }
0x2d: {  	[tilespmem:s1+$0xFFFFFFD0] =	vst v0  }
0x2e: {  	_ =	swait.ge [sflag:s19], $0x4000  }
0x2f: {  	[sflag:s19] =	ssyncset.done $0x0  }
0x30: {  	s18 =	simm.s32 $0x40;
	[sflag:s19] =	ssyncadd.s32 $0xFFFFC000  }
0x31: {  	v4 =	vld [tilespmem:s18+$0x30]  }
0x32: {  	v5 =	vld [tilespmem:s18+$0xFFFFFFD0]  }
0x33: {  	v6 =	vld [tilespmem:s18+$0xFFFFFFE0]  }
0x34: {  	v7 =	vld [tilespmem:s18+$0xFFFFFFF0]  }
0x35: {  	v8 =	vld [tilespmem:s18+$0x0]  }
0x36: {  	v4 =	vand.u32 $0x7FFFFFFF, v4  }
0x37: {  	v5 =	vand.u32 $0x7FFFFFFF, v5;
	v4 =	vshrl.u32 v4, $0x11  }
0x38: {  	v9 =	vld [tilespmem:s18+$0x10];
	v6 =	vand.u32 $0x7FFFFFFF, v6;
	v5 =	vshrl.u32 v5, $0x11  }
0x39: {  	v10 =	vld [tilespmem:s18+$0x20];
	v7 =	vand.u32 $0x7FFFFFFF, v7;
	v6 =	vshrl.u32 v6, $0x11  }
0x3a: {  	v11 =	vld [tilespmem:s18+$0xFFFFFFC0];
	v8 =	vand.u32 $0x7FFFFFFF, v8;
	v7 =	vshrl.u32 v7, $0x11  }
0x3b: {  	v8 =	vshrl.u32 v8, $0x11  }
0x3c: {  	[tilespmem:v4+s20+$0x0] =	vst.idx.add.s32.msk $0xffff, v1  }
0x3d: {  	[tilespmem:v5+s20+$0x0] =	vst.idx.add.s32.msk $0xffff, v1  }
0x3e: {  	[tilespmem:v6+s20+$0x0] =	vst.idx.add.s32.msk $0xffff, v1  }
0x3f: {  	v4 =	vand.u32 $0x7FFFFFFF, v9;
	v5 =	vand.u32 $0x7FFFFFFF, v10;
	v6 =	vand.u32 $0x7FFFFFFF, v11;
	[tilespmem:v7+s20+$0x0] =	vst.idx.add.s32.msk $0xffff, v1  }
0x40: {  	s1 =	simm.s32 $0x0;
	s2 =	simm.s32 $0xC0;
	[tilespmem:v8+s20+$0x0] =	vst.idx.add.s32.msk $0xffff, v1;
	v4 =	vshrl.u32 v4, $0x11;
	v5 =	vshrl.u32 v5, $0x11;
	v6 =	vshrl.u32 v6, $0x11  }
.LBB2_4:
0x41: {  	v7 =	vld [tilespmem:s2+$0x30];
	s1 =	sadd.s32 $0x8, s1  }
0x42: {  	v8 =	vld [tilespmem:s2+$0xFFFFFFD0];
	p0 =	slt.u32 s1, $0x3F8  }
0x43: {  	v9 =	vld [tilespmem:s2+$0xFFFFFFE0]  }
0x44: {  	v10 =	vld [tilespmem:s2+$0xFFFFFFF0]  }
0x45: {  	v11 =	vld [tilespmem:s2+$0x0]  }
0x46: {  	v12 =	vld [tilespmem:s2+$0x10];
	v7 =	vand.u32 $0x7FFFFFFF, v7  }
0x47: {  	v8 =	vand.u32 $0x7FFFFFFF, v8;
	v13 =	vld [tilespmem:s2+$0x20];
	v7 =	vshrl.u32 v7, $0x11  }
0x48: {  	v14 =	vld [tilespmem:s2+$0xFFFFFFC0];
	v8 =	vshrl.u32 v8, $0x11;
	v9 =	vand.u32 $0x7FFFFFFF, v9  }
0x49: {  	v9 =	vshrl.u32 v9, $0x11;
	v10 =	vand.u32 $0x7FFFFFFF, v10;
	[tilespmem:v6+s20+$0x0] =	vst.idx.add.s32.msk $0xffff, v1  }
0x4a: {  	v10 =	vshrl.u32 v10, $0x11;
	v6 =	vand.u32 $0x7FFFFFFF, v11;
	[tilespmem:v4+s20+$0x0] =	vst.idx.add.s32.msk $0xffff, v1  }
0x4b: {  	v11 =	vshrl.u32 v6, $0x11;
	v4 =	vand.u32 $0x7FFFFFFF, v12;
	[tilespmem:v5+s20+$0x0] =	vst.idx.add.s32.msk $0xffff, v1  }
.Ltmp1:
0x4c: {  	v4 =	vshrl.u32 v4, $0x11;
	v5 =	vand.u32 $0x7FFFFFFF, v13;
	[tilespmem:v7+s20+$0x0] =	vst.idx.add.s32.msk $0xffff, v1;
	(pc) =	sbr.rel @p0 .LBB2_4-.Ltmp1, $4  }
0x4d: {  	v6 =	vand.u32 $0x7FFFFFFF, v14;
	[tilespmem:v8+s20+$0x0] =	vst.idx.add.s32.msk $0xffff, v1;
	v5 =	vshrl.u32 v5, $0x11  }
0x4e: {  	v6 =	vshrl.u32 v6, $0x11;
	[tilespmem:v9+s20+$0x0] =	vst.idx.add.s32.msk $0xffff, v1  }
0x4f: {  	[tilespmem:v10+s20+$0x0] =	vst.idx.add.s32.msk $0xffff, v1  }
0x50: {  	s2 =	sadd.s32 $0x80, s2;
	[tilespmem:v11+s20+$0x0] =	vst.idx.add.s32.msk $0xffff, v1  }
0x51: {  	_ =	sdelay $0x3  }
0x52: {  	[tilespmem:v6+s20+$0x0] =	vst.idx.add.s32.msk $0xffff, v1  }
0x53: {  	[tilespmem:v4+s20+$0x0] =	vst.idx.add.s32.msk $0xffff, v1  }
0x54: {  	[tilespmem:v5+s20+$0x0] =	vst.idx.add.s32.msk $0xffff, v1  }
0x55: {  	_ =	swait.ge [sflag:s21], $0x4000  }
0x56: {  	[sflag:s21] =	ssyncset.done $0x0  }
0x57: {  	s1 =	simm.s32 $0x4070;
	[sflag:s21] =	ssyncadd.s32 $0xFFFFC000  }
0x58: {  	v4 =	vld [tilespmem:s1+$0x0]  }
0x59: {  	v5 =	vld [tilespmem:s1+$0xFFFFFFA0]  }
0x5a: {  	v6 =	vld [tilespmem:s1+$0xFFFFFFB0]  }
0x5b: {  	v7 =	vld [tilespmem:s1+$0xFFFFFFC0]  }
0x5c: {  	v8 =	vld [tilespmem:s1+$0xFFFFFFD0]  }
0x5d: {  	v4 =	vand.u32 $0x7FFFFFFF, v4  }
0x5e: {  	v5 =	vand.u32 $0x7FFFFFFF, v5;
	v4 =	vshrl.u32 v4, $0x11  }
0x5f: {  	v9 =	vld [tilespmem:s1+$0xFFFFFFE0];
	v6 =	vand.u32 $0x7FFFFFFF, v6;
	v5 =	vshrl.u32 v5, $0x11  }
0x60: {  	v10 =	vld [tilespmem:s1+$0xFFFFFFF0];
	v7 =	vand.u32 $0x7FFFFFFF, v7;
	v6 =	vshrl.u32 v6, $0x11  }
0x61: {  	v11 =	vld [tilespmem:s1+$0xFFFFFF90];
	v8 =	vand.u32 $0x7FFFFFFF, v8;
	v7 =	vshrl.u32 v7, $0x11  }
0x62: {  	v8 =	vshrl.u32 v8, $0x11  }
0x63: {  	[tilespmem:v4+s20+$0x0] =	vst.idx.add.s32.msk $0xffff, v1  }
0x64: {  	[tilespmem:v5+s20+$0x0] =	vst.idx.add.s32.msk $0xffff, v1  }
0x65: {  	[tilespmem:v6+s20+$0x0] =	vst.idx.add.s32.msk $0xffff, v1  }
0x66: {  	v4 =	vand.u32 $0x7FFFFFFF, v9;
	v5 =	vand.u32 $0x7FFFFFFF, v10;
	v6 =	vand.u32 $0x7FFFFFFF, v11;
	[tilespmem:v7+s20+$0x0] =	vst.idx.add.s32.msk $0xffff, v1  }
0x67: {  	s2 =	simm.s32 $0x400;
	s15 =	simm.s32 $0x40F0;
	s1 =	simm.s32 $0x18020;
	[tilespmem:v8+s20+$0x0] =	vst.idx.add.s32.msk $0xffff, v1;
	v4 =	vshrl.u32 v4, $0x11;
	v5 =	vshrl.u32 v5, $0x11;
	v6 =	vshrl.u32 v6, $0x11  }
.LBB2_6:
0x68: {  	v7 =	vld [tilespmem:s15+$0x0];
	s2 =	sadd.s32 $0x8, s2  }
0x69: {  	v8 =	vld [tilespmem:s15+$0xFFFFFFA0];
	p0 =	slt.u32 s2, $0x7F8  }
0x6a: {  	v9 =	vld [tilespmem:s15+$0xFFFFFFB0]  }
0x6b: {  	v10 =	vld [tilespmem:s15+$0xFFFFFFC0]  }
0x6c: {  	v11 =	vld [tilespmem:s15+$0xFFFFFFD0]  }
0x6d: {  	v12 =	vld [tilespmem:s15+$0xFFFFFFE0];
	v7 =	vand.u32 $0x7FFFFFFF, v7  }
0x6e: {  	v8 =	vand.u32 $0x7FFFFFFF, v8;
	v13 =	vld [tilespmem:s15+$0xFFFFFFF0];
	v7 =	vshrl.u32 v7, $0x11  }
0x6f: {  	v14 =	vld [tilespmem:s15+$0xFFFFFF90];
	v8 =	vshrl.u32 v8, $0x11;
	v9 =	vand.u32 $0x7FFFFFFF, v9  }
0x70: {  	v9 =	vshrl.u32 v9, $0x11;
	v10 =	vand.u32 $0x7FFFFFFF, v10;
	[tilespmem:v6+s20+$0x0] =	vst.idx.add.s32.msk $0xffff, v1  }
0x71: {  	v10 =	vshrl.u32 v10, $0x11;
	v6 =	vand.u32 $0x7FFFFFFF, v11;
	[tilespmem:v4+s20+$0x0] =	vst.idx.add.s32.msk $0xffff, v1  }
0x72: {  	v11 =	vshrl.u32 v6, $0x11;
	v4 =	vand.u32 $0x7FFFFFFF, v12;
	[tilespmem:v5+s20+$0x0] =	vst.idx.add.s32.msk $0xffff, v1  }
.Ltmp2:
0x73: {  	s16 =	simm.s32 $0x0;
	v4 =	vshrl.u32 v4, $0x11;
	v5 =	vand.u32 $0x7FFFFFFF, v13;
	[tilespmem:v7+s20+$0x0] =	vst.idx.add.s32.msk $0xffff, v1;
	(pc) =	sbr.rel @p0 .LBB2_6-.Ltmp2, $4  }
0x74: {  	v6 =	vand.u32 $0x7FFFFFFF, v14;
	[tilespmem:v8+s20+$0x0] =	vst.idx.add.s32.msk $0xffff, v1;
	v5 =	vshrl.u32 v5, $0x11  }
0x75: {  	v6 =	vshrl.u32 v6, $0x11;
	[tilespmem:v9+s20+$0x0] =	vst.idx.add.s32.msk $0xffff, v1  }
0x76: {  	[tilespmem:v10+s20+$0x0] =	vst.idx.add.s32.msk $0xffff, v1  }
0x77: {  	s15 =	sadd.s32 $0x80, s15;
	[tilespmem:v11+s20+$0x0] =	vst.idx.add.s32.msk $0xffff, v1  }
0x78: {  	_ =	sdelay $0x3  }
0x79: {  	[tilespmem:v6+s20+$0x0] =	vst.idx.add.s32.msk $0xffff, v1  }
0x7a: {  	[tilespmem:v4+s20+$0x0] =	vst.idx.add.s32.msk $0xffff, v1  }
0x7b: {  	[tilespmem:v5+s20+$0x0] =	vst.idx.add.s32.msk $0xffff, v1  }
0x7c: {  	v4 =	vld [tilespmem:s1+$0x10];
	_ =	sdelay $0x1  }
0x7d: {  	v5 =	vld [tilespmem:s1+$0xFFFFFFF0]  }
0x7e: {  	v6 =	vld [tilespmem:s1+$0x0]  }
0x7f: {  	v7 =	vld [tilespmem:s1+$0xFFFFFFE0]  }
0x80: {  	s3 =	simm.s32 $0x18060;
	(xrf0) =	vadd.scan.msk.s32 $0xffff, v4  }
0x81: {  	v9 =	vld [tilespmem:s3+$0x10]  }
0x82: {  	s17 =	simm.s32 $0x1;
	(xrf0) =	vadd.scan.msk.s32 $0xffff, v5  }
0x83: {  	s18 =	simm.s32 $0x2;
	v8 =	vmov s16;
	s2 =	simm.s32 $0x3;
	v12 =	vld [tilespmem:s3+$0xFFFFFFF0];
	v4 =	vmov s17;
	(xrf0) =	vadd.scan.msk.s32 $0xffff, v6  }
0x84: {  	v11 =	vld [tilespmem:s3+$0x0];
	v10 =	vmov s2;
	v4 =	vand.u32 $0xFFFFFFFD, v4;
	v5 =	vmov s18;
	(xrf0) =	vadd.scan.msk.s32 $0xffff, v7  }
0x85: {  	s15 =	simm.s32 $0x8;
	s1 =	simm.s32 $0x4;
	v13 =	vld [tilespmem:s3+$0xFFFFFFE0];
	v5 =	vand.u32 $0xFFFFFFFE, v5;
	v6 =	vand.u32 $0xFFFFFFFC, v8;
	v7 =	vbroadcast v4, $0x0  }
0x86: {  	s3 =	simm.s32 $0x5;
	s17 =	simm.s32 $0x4;
	s18 =	simm.s32 $0x180A0;
	v8 =	vbroadcast v5, $0x0;
	(xrf0) =	vadd.scan.msk.s32 $0xffff, v9;
	v9 =	vbroadcast v6, $0x0;
	v14, _, _ =	vpop (xrf0)  }
.LBB2_8:
0x87: {  	p0 =	slt.u32 s15, $0x3FC  }
0x88: {  	v15 =	vld [tilespmem:s18+$0x10];
	v16 =	vmov s17;
	v17 =	vmov s3;
	s3 =	sadd.s32 $0x2, s17;
	(xrf0) =	vadd.scan.msk.s32 $0xffff, v12;
	v21 =	vbroadcast v14, $0xF;
	v18, _, _ =	vpop (xrf0);
	s4 =	smov.u32 s15;
	s15 =	sadd.s32 $0x4, s15  }
.Ltmp3:
0x89: {  	v12 =	vld [tilespmem:s18+$0xFFFFFFF0];
	v17 =	vand.u32 $0xFFFFFFFD, v17;
	v19 =	vmov s3;
	(xrf0) =	vadd.scan.msk.s32 $0xffff, v11;
	v18 =	vbroadcast v18, $0xF;
	v20, _, _ =	vpop (xrf0);
	(pc) =	sbr.rel @p0 .LBB2_8-.Ltmp3, $4  }
0x8a: {  	s16 =	simm.s32 $0x1C020;
	s3 =	sadd.s32 $0x3, s17;
	s17 =	smov.u32 s4;
	v11 =	vld [tilespmem:s18+$0x0];
	v19 =	vand.u32 $0xFFFFFFFE, v19;
	(xrf0) =	vadd.scan.msk.s32 $0xffff, v13;
	v20 =	vbroadcast v20, $0xF;
	[tilespmem:v10+s22+$0x0] =	vst.idx.msk $0x1, v21;
	v14, _, _ =	vpop (xrf0)  }
0x8b: {  	v10 =	vmov s3;
	v13 =	vld [tilespmem:s18+$0xFFFFFFE0];
	v21 =	vbroadcast v14, $0xF;
	[tilespmem:v7+s22+$0x0] =	vst.idx.msk $0x1, v18;
	v7 =	vbroadcast v17, $0x0  }
0x8c: {  	v16 =	vand.u32 $0xFFFFFFFC, v16;
	[tilespmem:v8+s22+$0x0] =	vst.idx.msk $0x1, v20;
	v8 =	vbroadcast v19, $0x0  }
0x8d: {  	s3 =	sadd.s32 $0x1, s17;
	s18 =	sadd.s32 $0x40, s18;
	(xrf0) =	vadd.scan.msk.s32 $0xffff, v15;
	v14, _, _ =	vpop (xrf0);
	[tilespmem:v9+s22+$0x0] =	vst.idx.msk $0x1, v21;
	v9 =	vbroadcast v16, $0x0  }
0x8e: {  	_ =	sdelay $0x1  }
0x8f: {  	(xrf0) =	vadd.scan.msk.s32 $0xffff, v12;
	v57 =	vmov s17;
	v15 =	vmov s3;
	s15 =	sadd.s32 $0x2, s17;
	v14 =	vbroadcast v14, $0xF;
	v16, _, _ =	vpop (xrf0)  }
0x90: {  	s17 =	sadd.s32 $0x3, s17;
	(xrf0) =	vadd.scan.msk.s32 $0xffff, v11;
	v11 =	vand.u32 $0xFFFFFFFD, v15;
	v58 =	vmov s15;
	v16 =	vbroadcast v16, $0xF;
	v59, _, _ =	vpop (xrf0)  }
0x91: {  	v17 =	vmov s17;
	(xrf0) =	vadd.scan.msk.s32 $0xffff, v13;
	v13 =	vbroadcast v59, $0xF;
	[tilespmem:v10+s22+$0x0] =	vst.idx.msk $0x1, v14;
	v10, _, _ =	vpop (xrf0)  }
0x92: {  	v15 =	vand.u32 $0xFFFFFFFE, v58;
	v11 =	vbroadcast v11, $0x0;
	v10 =	vbroadcast v10, $0xF;
	v61, _, _ =	vpop (xrf0)  }
0x93: {  	v12 =	vand.u32 $0xFFFFFFFC, v57;
	v60 =	vbroadcast v15, $0x0;
	[tilespmem:v8+s22+$0x0] =	vst.idx.msk $0x1, v13;
	v8 =	vbroadcast v61, $0xF  }
0x94: {  	[tilespmem:v7+s22+$0x0] =	vst.idx.msk $0x1, v16;
	v7 =	vbroadcast v12, $0x0  }
0x95: {  	v62, _, _ =	vpop (xrf0)  }
0x96: {  	[tilespmem:v9+s22+$0x0] =	vst.idx.msk $0x1, v10;
	v9 =	vbroadcast v62, $0xF;
	v10, _, _ =	vpop (xrf0)  }
0x97: {  	v10 =	vbroadcast v10, $0xF;
	[tilespmem:v17+s22+$0x0] =	vst.idx.msk $0x1, v8;
	v8, _, _ =	vpop (xrf0)  }
0x98: {  	[tilespmem:v11+s22+$0x0] =	vst.idx.msk $0x1, v9;
	v8 =	vbroadcast v8, $0xF  }
0x99: {  	[tilespmem:v60+s22+$0x0] =	vst.idx.msk $0x1, v10  }
0x9a: {  	[tilespmem:v7+s22+$0x0] =	vst.idx.msk $0x1, v8  }
0x9b: {  	v7 =	vld [tilespmem:s16+$0x10];
	_ =	sdelay $0x1  }
0x9c: {  	v8 =	vld [tilespmem:s16+$0xFFFFFFF0]  }
0x9d: {  	v9 =	vld [tilespmem:s16+$0x0]  }
0x9e: {  	v11 =	vld [tilespmem:s16+$0xFFFFFFE0]  }
0x9f: {  	s18 =	simm.s32 $0x1C060;
	(xrf0) =	vadd.scan.msk.s32 $0xffff, v7  }
0xa0: {  	v63 =	vld [tilespmem:s18+$0x10]  }
0xa1: {  	(xrf0) =	vadd.scan.msk.s32 $0xffff, v8  }
0xa2: {  	v10 =	vld [tilespmem:s18+$0xFFFFFFF0];
	(xrf0) =	vadd.scan.msk.s32 $0xffff, v9  }
0xa3: {  	v8 =	vld [tilespmem:s18+$0x0];
	(xrf0) =	vadd.scan.msk.s32 $0xffff, v11  }
0xa4: {  	v4 =	vbroadcast v4, $0x0;
	v7 =	vmov s2;
	v9 =	vld [tilespmem:s18+$0xFFFFFFE0]  }
0xa5: {  	v5 =	vbroadcast v5, $0x0;
	s3 =	simm.s32 $0x5;
	v6 =	vbroadcast v6, $0x0;
	s15 =	simm.s32 $0x8;
	s16 =	simm.s32 $0x1C0A0;
	(xrf0) =	vadd.scan.msk.s32 $0xffff, v63;
	v11, _, _ =	vpop (xrf0)  }
.LBB2_10:
0xa6: {  	p0 =	slt.u32 s15, $0x3C  }
0xa7: {  	v12 =	vld [tilespmem:s16+$0x10];
	v13 =	vmov s1;
	v14 =	vmov s3;
	s2 =	sadd.s32 $0x2, s1;
	(xrf0) =	vadd.scan.msk.s32 $0xffff, v10;
	v18 =	vbroadcast v11, $0xF;
	v15, _, _ =	vpop (xrf0);
	s3 =	smov.u32 s15;
	s15 =	sadd.s32 $0x4, s15  }
.Ltmp4:
0xa8: {  	v10 =	vld [tilespmem:s16+$0xFFFFFFF0];
	v14 =	vand.u32 $0xFFFFFFFD, v14;
	v16 =	vmov s2;
	(xrf0) =	vadd.scan.msk.s32 $0xffff, v8;
	s2 =	simm.s32 $0x1C400;
	v15 =	vbroadcast v15, $0xF;
	v17, _, _ =	vpop (xrf0);
	(pc) =	sbr.rel @p0 .LBB2_10-.Ltmp4, $4  }
0xa9: {  	s4 =	sadd.s32 $0x3, s1;
	s1 =	smov.u32 s3;
	v8 =	vld [tilespmem:s16+$0x0];
	v16 =	vand.u32 $0xFFFFFFFE, v16;
	(xrf0) =	vadd.scan.msk.s32 $0xffff, v9;
	v17 =	vbroadcast v17, $0xF;
	[tilespmem:v7+s2+$0x0] =	vst.idx.msk $0x1, v18;
	v11, _, _ =	vpop (xrf0)  }
0xaa: {  	v7 =	vmov s4;
	v9 =	vld [tilespmem:s16+$0xFFFFFFE0];
	v18 =	vbroadcast v11, $0xF;
	[tilespmem:v4+s2+$0x0] =	vst.idx.msk $0x1, v15;
	v4 =	vbroadcast v14, $0x0  }
0xab: {  	v13 =	vand.u32 $0xFFFFFFFC, v13;
	[tilespmem:v5+s2+$0x0] =	vst.idx.msk $0x1, v17;
	v5 =	vbroadcast v16, $0x0  }
0xac: {  	s3 =	sadd.s32 $0x1, s1;
	s16 =	sadd.s32 $0x40, s16;
	(xrf0) =	vadd.scan.msk.s32 $0xffff, v12;
	v11, _, _ =	vpop (xrf0);
	[tilespmem:v6+s2+$0x0] =	vst.idx.msk $0x1, v18;
	v6 =	vbroadcast v13, $0x0  }
0xad: {  	_ =	sdelay $0x1  }
0xae: {  	(xrf0) =	vadd.scan.msk.s32 $0xffff, v10;
	v57 =	vmov s1;
	v12 =	vmov s3;
	s15 =	sadd.s32 $0x2, s1;
	v11 =	vbroadcast v11, $0xF;
	v13, _, _ =	vpop (xrf0)  }
0xaf: {  	s16 =	sadd.s32 $0x3, s1;
	(xrf0) =	vadd.scan.msk.s32 $0xffff, v8;
	v58 =	vand.u32 $0xFFFFFFFD, v12;
	v59 =	vmov s15;
	v13 =	vbroadcast v13, $0xF;
	v60, _, _ =	vpop (xrf0)  }
0xb0: {  	v14 =	vmov s16;
	(xrf0) =	vadd.scan.msk.s32 $0xffff, v9;
	v9 =	vbroadcast v60, $0xF;
	[tilespmem:v7+s2+$0x0] =	vst.idx.msk $0x1, v11;
	v7, _, _ =	vpop (xrf0)  }
0xb1: {  	v12 =	vand.u32 $0xFFFFFFFE, v59;
	v8 =	vbroadcast v58, $0x0;
	v7 =	vbroadcast v7, $0xF;
	v62, _, _ =	vpop (xrf0)  }
0xb2: {  	v10 =	vand.u32 $0xFFFFFFFC, v57;
	v61 =	vbroadcast v12, $0x0;
	[tilespmem:v5+s2+$0x0] =	vst.idx.msk $0x1, v9;
	v5 =	vbroadcast v62, $0xF  }
0xb3: {  	[tilespmem:v4+s2+$0x0] =	vst.idx.msk $0x1, v13;
	v4 =	vbroadcast v10, $0x0  }
0xb4: {  	v63, _, _ =	vpop (xrf0)  }
0xb5: {  	[tilespmem:v6+s2+$0x0] =	vst.idx.msk $0x1, v7;
	v6 =	vbroadcast v63, $0xF;
	v7, _, _ =	vpop (xrf0)  }
0xb6: {  	v7 =	vbroadcast v7, $0xF;
	[tilespmem:v14+s2+$0x0] =	vst.idx.msk $0x1, v5;
	v5, _, _ =	vpop (xrf0)  }
0xb7: {  	[tilespmem:v8+s2+$0x0] =	vst.idx.msk $0x1, v6;
	v5 =	vbroadcast v5, $0xF  }
0xb8: {  	[tilespmem:v61+s2+$0x0] =	vst.idx.msk $0x1, v7  }
0xb9: {  	[tilespmem:v4+s2+$0x0] =	vst.idx.msk $0x1, v5  }
0xba: {  	v4 =	vld [tilespmem:s2+$0x0];
	_ =	sdelay $0x4  }
0xbb: {  	s17 =	simm.s32 $0x1C410;
	(xrf0) =	vadd.scan.msk.s32 $0xffff, v4  }
0xbc: {  	v5 =	vld [tilespmem:s17+$0x0];
	_ =	sdelay $0x1  }
0xbd: {  	s18 =	simm.s32 $0x0  }
0xbe: {  	v4 =	vmov s18;
	_ =	sdelay $0x1  }
0xbf: {  	s1 =	simm.s32 $0x1;
	s3 =	simm.s32 $0x1C420;
	s2 =	simm.s32 $0x2;
	(xrf0) =	vadd.scan.msk.s32 $0xffff, v5;
	v5, _, _ =	vpop (xrf0)  }
.LBB2_12:
0xc0: {  	v6 =	vld [tilespmem:s3+$0x0];
	p0 =	sne.s32 s2, $0x3;
	v5 =	vbroadcast v5, $0xF;
	s4 =	smov.u32 s2;
	s2 =	sadd.s32 $0x1, s2  }
.Ltmp5:
0xc1: {  	(pc) =	sbr.rel @p0 .LBB2_12-.Ltmp5, $3  }
0xc2: {  	[tilespmem:v4+s23+$0x0] =	vst.idx.msk $0x1, v5  }
0xc3: {  	v4 =	vmov s1;
	s1 =	smov.u32 s4;
	_ =	sdelay $0x1  }
0xc4: {  	s3 =	sadd.s32 $0x10, s3;
	(xrf0) =	vadd.scan.msk.s32 $0xffff, v6;
	v5, _, _ =	vpop (xrf0)  }
0xc5: {  	_ =	sdelay $0x2  }
0xc6: {  	v6 =	vmov s1;
	_ =	sdelay $0x1  }
0xc7: {  	v5 =	vbroadcast v5, $0xF;
	v7, _, _ =	vpop (xrf0)  }
0xc8: {  	v7 =	vbroadcast v7, $0xF  }
0xc9: {  	[tilespmem:v4+s23+$0x0] =	vst.idx.msk $0x1, v5  }
0xca: {  	[tilespmem:v6+s23+$0x0] =	vst.idx.msk $0x1, v7  }
0xcb: {  	v4 =	vld [tilespmem:$0x1C480];
	_ =	sdelay $0x4  }
0xcc: {  	v4 =	vperm.xlane v4, v2;
	_ =	sdelay $0x1  }
0xcd: {  	(xrf0) =	vadd.scan.msk.s32 $0xffff, v4;
	_ =	sdelay $0x5  }
0xce: {  	v5, _, _ =	vpop (xrf0)  }
0xcf: {  	vm0 =	vgt.s32 v5, $0xCCB  }
0xd0: {  	v6 =	vsel vm0, $0x1, v0  }
0xd1: {  	(xrf0) =	vadd.scan.msk.s32 $0xffff, v6;
	_ =	sdelay $0x5  }
0xd2: {  	v6, _, _ =	vpop (xrf0)  }
0xd3: {  	vm1 =	veq.s32 v6, $0x1  }
0xd4: {  	vm0 =	vmand vm0, vm1  }
0xd5: {  	v6 =	vnsel vm0, $0x7FFFFFFF, v3  }
0xd6: {  	(xrf0) =	vmax.scan.msk.u32 $0xffff, v6;
	_ =	sdelay $0x5  }
0xd7: {  	v6, _, _ =	vpop (xrf0)  }
0xd8: {  	(v2sf) =	vpush v6, $0xF;
	_ =	sdelay $0x3  }
0xd9: {  	v4 =	vsub.s32 v5, v4  }
0xda: {  	v4 =	vxor.u32 $0x80000000, v4  }
0xdb: {  	v4 =	vnsel vm0, $0x7FFFFFFF, v4  }
0xdc: {  	(xrf0) =	vmax.scan.msk.u32 $0xffff, v4;
	_ =	sdelay $0x5  }
0xdd: {  	v4, _, _ =	vpop (xrf0)  }
0xde: {  	(v2sf) =	vpush v4, $0xF  }
0xdf: {  	s15 =	spop (v2sf)  }
0xe0: {  	s1 =	sshll.u32 s15, $0x4  }
0xe1: {  	v4 =	vld [tilespmem:s1+$0x1C400];
	_ =	sdelay $0x4  }
0xe2: {  	v4 =	vperm.xlane v4, v2;
	_ =	sdelay $0x1  }
0xe3: {  	(xrf0) =	vadd.scan.msk.s32 $0xffff, v4;
	_ =	sdelay $0x4  }
0xe4: {  	s2 =	spop (v2sf)  }
0xe5: {  	s2 =	sxor.u32 $0x80000000, s2;
	v5, _, _ =	vpop (xrf0)  }
0xe6: {  	v5 =	vadd.s32 s2, v5  }
0xe7: {  	vm0 =	vgt.s32 v5, $0xCCB  }
0xe8: {  	v6 =	vsel vm0, $0x1, v0  }
0xe9: {  	(xrf0) =	vadd.scan.msk.s32 $0xffff, v6;
	_ =	sdelay $0x5  }
0xea: {  	v6, _, _ =	vpop (xrf0)  }
0xeb: {  	vm1 =	veq.s32 v6, $0x1  }
0xec: {  	vm0 =	vmand vm0, vm1  }
0xed: {  	v6 =	vnsel vm0, $0x7FFFFFFF, v3  }
0xee: {  	(xrf0) =	vmax.scan.msk.u32 $0xffff, v6;
	_ =	sdelay $0x5  }
0xef: {  	v6, _, _ =	vpop (xrf0)  }
0xf0: {  	(v2sf) =	vpush v6, $0xF;
	_ =	sdelay $0x4  }
0xf1: {  	v4 =	vsub.s32 v5, v4  }
0xf2: {  	v4 =	vxor.u32 $0x80000000, v4  }
0xf3: {  	v4 =	vnsel vm0, $0x7FFFFFFF, v4  }
0xf4: {  	(xrf0) =	vmax.scan.msk.u32 $0xffff, v4;
	_ =	sdelay $0x5  }
0xf5: {  	v4, _, _ =	vpop (xrf0)  }
0xf6: {  	s16 =	spop (v2sf);
	(v2sf) =	vpush v4, $0xF  }
0xf7: {  	s1 =	sadd.s32 s1, s16  }
0xf8: {  	s1 =	sshll.u32 s1, $0x4  }
0xf9: {  	v4 =	vld [tilespmem:s1+$0x1C000];
	_ =	sdelay $0x4  }
0xfa: {  	v4 =	vperm.xlane v4, v2;
	_ =	sdelay $0x1  }
0xfb: {  	(xrf0) =	vadd.scan.msk.s32 $0xffff, v4;
	_ =	sdelay $0x4  }
0xfc: {  	s17 =	spop (v2sf)  }
0xfd: {  	s2 =	sxor.u32 $0x80000000, s17;
	v5, _, _ =	vpop (xrf0)  }
0xfe: {  	v5 =	vadd.s32 s2, v5  }
0xff: {  	vm0 =	vgt.s32 v5, $0xCCB  }
0x100: {  	v6 =	vsel vm0, $0x1, v0  }
0x101: {  	(xrf0) =	vadd.scan.msk.s32 $0xffff, v6;
	_ =	sdelay $0x5  }
0x102: {  	v6, _, _ =	vpop (xrf0)  }
0x103: {  	vm1 =	veq.s32 v6, $0x1  }
0x104: {  	vm0 =	vmand vm0, vm1  }
0x105: {  	v6 =	vnsel vm0, $0x7FFFFFFF, v3  }
0x106: {  	(xrf0) =	vmax.scan.msk.u32 $0xffff, v6;
	_ =	sdelay $0x5  }
0x107: {  	v6, _, _ =	vpop (xrf0)  }
0x108: {  	(v2sf) =	vpush v6, $0xF;
	_ =	sdelay $0xe  }
0x109: {  	s18 =	spop (v2sf)  }
0x10a: {  	s1 =	sadd.s32 s1, s18  }
0x10b: {  	s2 =	sshll.u32 s1, $0x4;
	s1 =	simm.s32 $0x18040  }
0x10c: {  	v6 =	vld [tilespmem:s2+$0x18000];
	[tilespmem:s1+$0xFFFFFFC0] =	vst v0  }
0x10d: {  	[tilespmem:s1+$0x30] =	vst v0  }
0x10e: {  	[tilespmem:s1+$0x20] =	vst v0  }
0x10f: {  	[tilespmem:s1+$0x10] =	vst v0  }
0x110: {  	[tilespmem:s1+$0x0] =	vst v0  }
0x111: {  	[tilespmem:s1+$0xFFFFFFF0] =	vst v0  }
0x112: {  	s3 =	simm.s32 $0x0;
	[tilespmem:s1+$0xFFFFFFE0] =	vst v0;
	v6 =	vperm.xlane v6, v2  }
.LBB2_14:
0x113: {  	s3 =	sadd.s32 $0x8, s3;
	[tilespmem:s1+$0xFFFFFFD0] =	vst v0;
	s1 =	sadd.s32 $0x80, s1  }
0x114: {  	[tilespmem:s1+$0xFFFFFFC0] =	vst v0;
	p0 =	slt.u32 s3, $0x3F8  }
0x115: {  	[tilespmem:s1+$0x30] =	vst v0  }
.Ltmp6:
0x116: {  	[tilespmem:s1+$0x20] =	vst v0;
	(pc) =	sbr.rel @p0 .LBB2_14-.Ltmp6, $4  }
0x117: {  	[tilespmem:s1+$0x10] =	vst v0  }
0x118: {  	[tilespmem:s1+$0x0] =	vst v0  }
0x119: {  	[tilespmem:s1+$0xFFFFFFF0] =	vst v0  }
0x11a: {  	[tilespmem:s1+$0xFFFFFFE0] =	vst v0  }
0x11b: {  	v4 =	vsub.s32 v5, v4  }
0x11c: {  	v4 =	vxor.u32 $0x80000000, v4  }
0x11d: {  	v4 =	vnsel vm0, $0x7FFFFFFF, v4  }
0x11e: {  	(xrf0) =	vmax.scan.msk.u32 $0xffff, v4;
	_ =	sdelay $0x5  }
0x11f: {  	v4, _, _ =	vpop (xrf0)  }
0x120: {  	(v2sf) =	vpush v4, $0xF;
	_ =	sdelay $0x9  }
0x121: {  	(xrf0) =	vadd.scan.msk.s32 $0xffff, v6;
	_ =	sdelay $0x4  }
0x122: {  	s3 =	spop (v2sf)  }
0x123: {  	v4, _, _ =	vpop (xrf0);
	s3 =	sxor.u32 $0x80000000, s3  }
0x124: {  	v4 =	vadd.s32 s3, v4  }
0x125: {  	vm0 =	vgt.s32 v4, $0xCCB  }
0x126: {  	v4 =	vsel vm0, $0x1, v0  }
0x127: {  	(xrf0) =	vadd.scan.msk.s32 $0xffff, v4;
	_ =	sdelay $0x5  }
0x128: {  	v4, _, _ =	vpop (xrf0)  }
0x129: {  	vm1 =	veq.s32 v4, $0x1  }
0x12a: {  	vm0 =	vmand vm0, vm1  }
0x12b: {  	v4 =	vnsel vm0, $0x7FFFFFFF, v3  }
0x12c: {  	(xrf0) =	vmax.scan.msk.u32 $0xffff, v4;
	_ =	sdelay $0x5  }
0x12d: {  	v4, _, _ =	vpop (xrf0)  }
0x12e: {  	(v2sf) =	vpush v4, $0xF;
	_ =	sdelay $0xe  }
0x12f: {  	[tilespmem:s1+$0xFFFFFFD0] =	vst v0;
	s18 =	spop (v2sf)  }
0x130: {  	_ =	swait.ge [sflag:s24], $0x8000  }
0x131: {  	[sflag:s24] =	ssyncset.done $0x0  }
0x132: {  	[sflag:s24] =	ssyncadd.s32 $0xFFFF8000  }
0x133: {  	_ =	swait.ge [sflag:s25], $0x4000  }
0x134: {  	[sflag:s25] =	ssyncset.done $0x0  }
0x135: {  	s4 =	simm.s32 $0x10040;
	[sflag:s25] =	ssyncadd.s32 $0xFFFFC000  }
0x136: {  	s1 =	simm.s32 $0x40;
	v7 =	vld [tilespmem:s4+$0x30]  }
0x137: {  	v13 =	vld [tilespmem:s1+$0x30]  }
0x138: {  	v5 =	vld [tilespmem:s1+$0xFFFFFFD0]  }
0x139: {  	v10 =	vld [tilespmem:s1+$0x0]  }
0x13a: {  	v15 =	vld [tilespmem:s1+$0xFFFFFFC0]  }
0x13b: {  	v6 =	vld [tilespmem:s1+$0xFFFFFFE0]  }
0x13c: {  	s2 =	sadd.s32 s2, s18;
	v12 =	vld [tilespmem:s4+$0x0]  }
0x13d: {  	s2 =	sshll.u32 s2, $0x11;
	v14 =	vld [tilespmem:s4+$0xFFFFFFC0]  }
0x13e: {  	v4 =	vmov s2;
	v16 =	vld [tilespmem:s4+$0xFFFFFFE0];
	v9 =	vand.u32 $0x7FFFFFFF, v5;
	v11 =	vand.u32 $0x80000000, v5  }
0x13f: {  	v22 =	vld [tilespmem:s4+$0xFFFFFFD0];
	v17 =	vand.u32 $0x7FFFFFFF, v15;
	v18 =	vand.u32 $0x7FFFFFFF, v13;
	v19 =	vand.u32 $0x80000000, v13  }
0x140: {  	v8 =	vand.u32 $0x80000000, v6;
	v20 =	vand.u32 $0x7FFFFFFF, v10;
	v23 =	vand.u32 $0x7FFFFFFF, v6  }
0x141: {  	v25 =	vand.u32 $0x80000000, v10;
	v21 =	vsub.f32 v18, v7;
	v12 =	vsub.f32 v20, v12  }
0x142: {  	vm1 =	vlt.s32 v18, v4;
	v7 =	vld [tilespmem:s1+$0x10];
	vm0 =	vlt.s32 v23, v4;
	vm2 =	vlt.s32 v20, v4  }
0x143: {  	v20 =	vld [tilespmem:s4+$0x10];
	vm3 =	vlt.s32 v17, v4;
	v18 =	vmax.f32 v21, $0.0e+00;
	v21 =	vsub.f32 v17, v14  }
0x144: {  	v22 =	vsub.f32 v9, v22;
	v24 =	vmax.f32 v12, $0.0e+00;
	v14 =	vsub.f32 v23, v16;
	v12 =	vld [tilespmem:s1+$0xFFFFFFF0]  }
0x145: {  	v23 =	vand.u32 $0x80000000, v15;
	v17 =	vld [tilespmem:s4+$0xFFFFFFF0];
	v16 =	vor.u32 v24, v25;
	v21 =	vmax.f32 v21, $0.0e+00  }
0x146: {  	v19 =	vor.u32 v18, v19;
	v16 =	vsel vm2, v16, v10;
	v10 =	vld [tilespmem:s1+$0x20];
	v21 =	vor.u32 v21, v23  }
0x147: {  	s15 =	simm.s32 $0xC0;
	s2 =	simm.s32 $0x8040;
	[tilespmem:s1+$0x0] =	vst v16;
	v18 =	vand.u32 $0x7FFFFFFF, v7;
	v16 =	vsel vm1, v19, v13;
	v21 =	vsel vm3, v21, v15;
	v15 =	vld [tilespmem:s4+$0x20]  }
0x148: {  	s16 =	simm.s32 $0x100C0;
	s17 =	simm.s32 $0x8040;
	s18 =	simm.s32 $0x0;
	v19 =	vmax.f32 v22, $0.0e+00;
	v13 =	vld [tilespmem:s2+$0x0];
	[tilespmem:s1+$0xFFFFFFC0] =	vst v21;
	v21 =	vsub.f32 v18, v20;
	v20 =	vand.u32 $0x80000000, v7  }
.LBB2_16:
0x149: {  	s18 =	sadd.s32 $0x8, s18;
	v22 =	vld [tilespmem:s2+$0xFFFFFFC0];
	v11 =	vor.u32 v19, v11;
	vm1 =	vlt.s32 v9, v4;
	v9 =	vand.u32 $0x7FFFFFFF, v12;
	s17 =	sadd.s32 $0x80, s17  }
0x14a: {  	v19 =	vld [tilespmem:s16+$0x30];
	p0 =	slt.u32 s18, $0x3F8;
	v5 =	vsel vm1, v11, v5;
	v11 =	vsub.f32 v9, v17;
	v17 =	vmax.f32 v21, $0.0e+00  }
0x14b: {  	vm1 =	vlt.s32 v18, v4;
	v21 =	vld [tilespmem:s16+$0xFFFFFFC0];
	[tilespmem:s1+$0xFFFFFFD0] =	vst v5;
	v5 =	vmax.f32 v14, $0.0e+00;
	v14 =	vor.u32 v17, v20  }
0x14c: {  	v18 =	vand.u32 $0x80000000, v12;
	v17 =	vld [tilespmem:s2+$0xFFFFFFD0];
	v11 =	vmax.f32 v11, $0.0e+00;
	v7 =	vsel vm1, v14, v7;
	[tilespmem:s1+$0x30] =	vst v16  }
0x14d: {  	v5 =	vor.u32 v5, v8;
	vm1 =	vlt.s32 v9, v4;
	v8 =	vor.u32 v11, v18;
	[tilespmem:s1+$0x10] =	vst v7;
	v7 =	vld [tilespmem:s2+$0x30]  }
0x14e: {  	v9 =	vand.u32 $0x7FFFFFFF, v10;
	v5 =	vsel vm0, v5, v6;
	v6 =	vsel vm1, v8, v12;
	v8 =	vld [tilespmem:s2+$0x10]  }
0x14f: {  	v11 =	vand.u32 $0x7FFFFFFF, v22;
	v12 =	vld [tilespmem:s16+$0xFFFFFFE0];
	[tilespmem:s1+$0xFFFFFFF0] =	vst v6;
	v6 =	vand.u32 $0x7FFFFFFF, v13;
	v13 =	vsub.f32 v9, v15  }
0x150: {  	[tilespmem:s1+$0xFFFFFFE0] =	vst v5;
	v14 =	vld [tilespmem:s2+$0xFFFFFFF0];
	v6 =	vshrl.u32 v6, $0x11  }
0x151: {  	v16 =	vld [tilespmem:s15+$0x30];
	v15 =	vand.u32 $0x7FFFFFFF, v17;
	v5 =	vmax.f32 v13, $0.0e+00;
	v13 =	vand.u32 $0x80000000, v10  }
0x152: {  	vm0 =	vlt.s32 v9, v4;
	v17 =	vld [tilespmem:s16+$0x0];
	v13 =	vor.u32 v5, v13  }
0x153: {  	v9 =	vand.u32 $0x7FFFFFFF, v7;
	v5 =	vld [tilespmem:s15+$0xFFFFFFD0];
	v8 =	vand.u32 $0x7FFFFFFF, v8  }
0x154: {  	v10 =	vsel vm0, v13, v10;
	v7 =	vld [tilespmem:s15+$0x10]  }
0x155: {  	v8 =	vshrl.u32 v8, $0x11;
	v13 =	vld [tilespmem:s2+$0xFFFFFFE0];
	v14 =	vand.u32 $0x7FFFFFFF, v14;
	[tilespmem:s1+$0x20] =	vst v10;
	s1 =	smov.u32 s15  }
0x156: {  	v9 =	vshrl.u32 v9, $0x11;
	v10 =	vld [tilespmem:s15+$0x0];
	v14 =	vshrl.u32 v14, $0x11  }
0x157: {  	v18 =	vld [tilespmem:s16+$0xFFFFFFD0]  }
0x158: {  	v20 =	vld [tilespmem:s2+$0x20];
	s2 =	smov.u32 s17  }
0x159: {  	[tilespmem:v6+s20+$0x0] =	vst.idx.add.s32.msk $0xffff, v1  }
0x15a: {  	v23 =	vshrl.u32 v11, $0x11;
	v22 =	vld [tilespmem:s15+$0xFFFFFFC0];
	v11 =	vand.u32 $0x7FFFFFFF, v13  }
0x15b: {  	v13 =	vshrl.u32 v15, $0x11;
	v6 =	vld [tilespmem:s15+$0xFFFFFFE0];
	v15 =	vshrl.u32 v11, $0x11  }
0x15c: {  	[tilespmem:v14+s20+$0x0] =	vst.idx.add.s32.msk $0xffff, v1  }
0x15d: {  	v14 =	vand.u32 $0x7FFFFFFF, v20;
	[tilespmem:v9+s20+$0x0] =	vst.idx.add.s32.msk $0xffff, v1  }
0x15e: {  	v11 =	vand.u32 $0x80000000, v5;
	v9 =	vand.u32 $0x7FFFFFFF, v5;
	[tilespmem:v8+s20+$0x0] =	vst.idx.add.s32.msk $0xffff, v1;
	v14 =	vshrl.u32 v14, $0x11  }
0x15f: {  	v24 =	vand.u32 $0x7FFFFFFF, v16;
	v25 =	vand.u32 $0x80000000, v16;
	v20 =	vand.u32 $0x7FFFFFFF, v22;
	[tilespmem:v23+s20+$0x0] =	vst.idx.add.s32.msk $0xffff, v1  }
0x160: {  	v19 =	vsub.f32 v24, v19;
	v23 =	vand.u32 $0x7FFFFFFF, v10;
	v8 =	vand.u32 $0x80000000, v6;
	[tilespmem:v15+s20+$0x0] =	vst.idx.add.s32.msk $0xffff, v1  }
0x161: {  	vm1 =	vlt.s32 v24, v4;
	v15 =	vand.u32 $0x7FFFFFFF, v6;
	v17 =	vsub.f32 v23, v17;
	[tilespmem:v13+s20+$0x0] =	vst.idx.add.s32.msk $0xffff, v1  }
0x162: {  	vm2 =	vlt.s32 v23, v4;
	vm0 =	vlt.s32 v15, v4;
	v13 =	vmax.f32 v19, $0.0e+00;
	v23 =	vld [tilespmem:s16+$0x10]  }
0x163: {  	v19 =	vsub.f32 v20, v21;
	v21 =	vand.u32 $0x80000000, v10;
	v17 =	vmax.f32 v17, $0.0e+00;
	[tilespmem:v14+s20+$0x0] =	vst.idx.add.s32.msk $0xffff, v1  }
.Ltmp7:
0x164: {  	vm3 =	vlt.s32 v20, v4;
	v14 =	vsub.f32 v15, v12;
	v15 =	vor.u32 v17, v21;
	v12 =	vld [tilespmem:s15+$0xFFFFFFF0];
	(pc) =	sbr.rel @p0 .LBB2_16-.Ltmp7, $4  }
0x165: {  	v20 =	vand.u32 $0x80000000, v22;
	v19 =	vmax.f32 v19, $0.0e+00;
	v15 =	vsel vm2, v15, v10;
	v17 =	vld [tilespmem:s16+$0xFFFFFFF0]  }
0x166: {  	v13 =	vor.u32 v13, v25;
	v19 =	vor.u32 v19, v20;
	v20 =	vsub.f32 v9, v18;
	v10 =	vld [tilespmem:s15+$0x20]  }
0x167: {  	v16 =	vsel vm1, v13, v16;
	v18 =	vand.u32 $0x7FFFFFFF, v7;
	v19 =	vsel vm3, v19, v22;
	[tilespmem:s15+$0x0] =	vst v15;
	v15 =	vld [tilespmem:s16+$0x20]  }
0x168: {  	v21 =	vsub.f32 v18, v23;
	s15 =	sadd.s32 $0x80, s15;
	s16 =	sadd.s32 $0x80, s16;
	[tilespmem:s1+$0xFFFFFFC0] =	vst v19;
	v19 =	vmax.f32 v20, $0.0e+00;
	v13 =	vld [tilespmem:s17+$0x0];
	v20 =	vand.u32 $0x80000000, v7  }
0x169: {  	v22 =	vand.u32 $0x7FFFFFFF, v12  }
0x16a: {  	v17 =	vsub.f32 v22, v17;
	_ =	sdelay $0x1  }
0x16b: {  	v23 =	vand.u32 $0x80000000, v12;
	v17 =	vmax.f32 v17, $0.0e+00  }
0x16c: {  	vm1 =	vlt.s32 v22, v4;
	v17 =	vor.u32 v17, v23  }
0x16d: {  	v21 =	vmax.f32 v21, $0.0e+00;
	v12 =	vsel vm1, v17, v12  }
0x16e: {  	v17 =	vor.u32 v21, v20;
	vm1 =	vlt.s32 v18, v4;
	v18 =	vand.u32 $0x7FFFFFFF, v10;
	[tilespmem:s1+$0xFFFFFFF0] =	vst v12  }
0x16f: {  	[tilespmem:s1+$0x30] =	vst v16;
	v12 =	vmax.f32 v14, $0.0e+00;
	v7 =	vsel vm1, v17, v7;
	v14 =	vsub.f32 v18, v15;
	v15 =	vld [tilespmem:s2+$0xFFFFFFF0]  }
0x170: {  	v11 =	vor.u32 v19, v11;
	vm1 =	vlt.s32 v9, v4;
	v8 =	vor.u32 v12, v8;
	[tilespmem:s1+$0x10] =	vst v7;
	v7 =	vld [tilespmem:s2+$0x30]  }
0x171: {  	v12 =	vand.u32 $0x80000000, v10;
	v6 =	vsel vm0, v8, v6;
	v8 =	vld [tilespmem:s2+$0x10];
	v9 =	vmax.f32 v14, $0.0e+00  }
0x172: {  	v5 =	vsel vm1, v11, v5;
	v14 =	vld [tilespmem:s2+$0xFFFFFFC0];
	vm0 =	vlt.s32 v18, v4;
	[tilespmem:s1+$0xFFFFFFE0] =	vst v6;
	v6 =	vor.u32 v9, v12  }
0x173: {  	[tilespmem:s1+$0xFFFFFFD0] =	vst v5;
	v5 =	vand.u32 $0x7FFFFFFF, v13;
	v6 =	vsel vm0, v6, v10;
	v9 =	vld [tilespmem:s2+$0xFFFFFFE0]  }
0x174: {  	v5 =	vshrl.u32 v5, $0x11;
	v10 =	vld [tilespmem:s2+$0xFFFFFFD0];
	[tilespmem:s1+$0x20] =	vst v6;
	v11 =	vand.u32 $0x7FFFFFFF, v15  }
0x175: {  	v6 =	vand.u32 $0x7FFFFFFF, v7;
	v7 =	vshrl.u32 v11, $0x11;
	v11 =	vld [tilespmem:s2+$0x20]  }
0x176: {  	v8 =	vand.u32 $0x7FFFFFFF, v8;
	v6 =	vshrl.u32 v6, $0x11  }
0x177: {  	v12 =	vand.u32 $0x7FFFFFFF, v14;
	v8 =	vshrl.u32 v8, $0x11  }
0x178: {  	v12 =	vshrl.u32 v12, $0x11;
	v9 =	vand.u32 $0x7FFFFFFF, v9  }
0x179: {  	[tilespmem:v5+s20+$0x0] =	vst.idx.add.s32.msk $0xffff, v1;
	v10 =	vand.u32 $0x7FFFFFFF, v10;
	v5 =	vshrl.u32 v9, $0x11  }
0x17a: {  	v9 =	vshrl.u32 v10, $0x11;
	[tilespmem:v7+s20+$0x0] =	vst.idx.add.s32.msk $0xffff, v1;
	v7 =	vand.u32 $0x7FFFFFFF, v11  }
0x17b: {  	[tilespmem:v6+s20+$0x0] =	vst.idx.add.s32.msk $0xffff, v1;
	v6 =	vshrl.u32 v7, $0x11  }
0x17c: {  	[tilespmem:v8+s20+$0x0] =	vst.idx.add.s32.msk $0xffff, v1  }
0x17d: {  	[tilespmem:v12+s20+$0x0] =	vst.idx.add.s32.msk $0xffff, v1  }
0x17e: {  	[tilespmem:v5+s20+$0x0] =	vst.idx.add.s32.msk $0xffff, v1  }
0x17f: {  	[tilespmem:v9+s20+$0x0] =	vst.idx.add.s32.msk $0xffff, v1  }
0x180: {  	s18 =	simm.s32 $0x0;
	[tilespmem:v6+s20+$0x0] =	vst.idx.add.s32.msk $0xffff, v1  }
0x181: {  	[hbm4b:s8+s13] =	stream.strided.scatter [tilespmem:s18], [sflag:$0x5], $0x4000, s14, s13, $0x38;
	[tilespmem:$0x1C500] =	vst v63  }
0x182: {  	_ =	swait.ge [sflag:s26], $0x4000  }
0x183: {  	[sflag:s26] =	ssyncset.done $0x0  }
0x184: {  	s1 =	simm.s32 $0x0;
	[sflag:s26] =	ssyncadd.s32 $0xFFFFC000  }
0x185: {  	v14 =	vld [tilespmem:s1+$0x4030]  }
0x186: {  	v7 =	vld [tilespmem:s1+$0xC010]  }
0x187: {  	v9 =	vld [tilespmem:s1+$0xC000]  }
0x188: {  	v10 =	vld [tilespmem:s1+$0x14010]  }
0x189: {  	v13 =	vld [tilespmem:s1+$0x4020]  }
0x18a: {  	v11 =	vld [tilespmem:s1+$0xC020]  }
0x18b: {  	v8 =	vld [tilespmem:s1+$0x4010]  }
0x18c: {  	v12 =	vld [tilespmem:s1+$0x14020]  }
0x18d: {  	v5 =	vld [tilespmem:s1+$0x4050]  }
0x18e: {  	v19 =	vld [tilespmem:s1+$0xC070]  }
0x18f: {  	v15 =	vld [tilespmem:s1+$0x14030]  }
0x190: {  	v16 =	vld [tilespmem:s1+$0x14050];
	v17 =	vand.u32 $0x7FFFFFFF, v8;
	v18 =	vand.u32 $0x7FFFFFFF, v13  }
0x191: {  	v6 =	vld [tilespmem:s1+$0x14000];
	v23 =	vand.u32 $0x80000000, v8;
	v11 =	vand.u32 $0x7FFFFFFF, v11;
	v7 =	vand.u32 $0x7FFFFFFF, v7  }
0x192: {  	v26 =	vld [tilespmem:s1+$0xC050];
	v21 =	vand.u32 $0x80000000, v13;
	v24 =	vand.u32 $0x7FFFFFFF, v14;
	v25 =	vand.u32 $0x7FFFFFFF, v5  }
0x193: {  	v20 =	vld [tilespmem:s1+$0x14060];
	v27 =	vand.u32 $0x80000000, v14;
	v19 =	vand.u32 $0x7FFFFFFF, v19;
	v12 =	vsub.f32 v18, v12  }
0x194: {  	v9 =	vand.u32 $0x7FFFFFFF, v9;
	vm2 =	vlt.s32 v18, v4;
	v18 =	vld [tilespmem:s1+$0xC060];
	v10 =	vsub.f32 v17, v10  }
0x195: {  	vm1 =	vlt.s32 v17, v4;
	v17 =	vshrl.u32 v11, $0x11;
	v22 =	vmax.f32 v12, $0.0e+00;
	v12 =	vld [tilespmem:s1+$0x4060]  }
0x196: {  	v11 =	vshrl.u32 v7, $0x11;
	v28 =	vmax.f32 v10, $0.0e+00;
	v10 =	vsub.f32 v24, v15;
	v15 =	vld [tilespmem:s1+$0x4040]  }
0x197: {  	vm0 =	vlt.s32 v25, v4;
	v16 =	vsub.f32 v25, v16;
	v7 =	vor.u32 v22, v21;
	v22 =	vld [tilespmem:s1+$0x14040]  }
0x198: {  	v9 =	vshrl.u32 v9, $0x11;
	v7 =	vsel vm2, v7, v13;
	v13 =	vld [tilespmem:s1+$0xC030];
	vm2 =	vlt.s32 v24, v4  }
0x199: {  	v24 =	vand.u32 $0x7FFFFFFF, v26;
	[tilespmem:s1+$0x4020] =	vst v7;
	v7 =	vshrl.u32 v19, $0x11;
	v19 =	vmax.f32 v10, $0.0e+00;
	v10 =	vld [tilespmem:s1+$0x4000]  }
0x19a: {  	v18 =	vand.u32 $0x7FFFFFFF, v18;
	[tilespmem:v17+s20+$0x0] =	vst.idx.add.s32.msk $0xffff, v1;
	v17 =	vand.u32 $0x80000000, v5;
	v19 =	vor.u32 v19, v27  }
0x19b: {  	v18 =	vshrl.u32 v18, $0x11;
	v21 =	vand.u32 $0x80000000, v12;
	v27 =	vsel vm2, v19, v14;
	v19 =	vld [tilespmem:s1+$0x14070]  }
0x19c: {  	s15 =	simm.s32 $0x200;
	s2 =	simm.s32 $0x400;
	v25 =	vand.u32 $0x7FFFFFFF, v12;
	v14 =	vor.u32 v28, v23;
	v26 =	vand.u32 $0x7FFFFFFF, v15;
	v23 =	vld [tilespmem:s1+$0xC040];
	[tilespmem:s1+$0x4030] =	vst v27  }
.LBB2_18:
0x19d: {  	s16 =	sshra.s32 s15, $0x2;
	s2 =	sadd.s32 $0x8, s2;
	v8 =	vsel vm1, v14, v8;
	v20 =	vsub.f32 v25, v20;
	vm1 =	vlt.s32 v25, v4;
	v25 =	vld [tilespmem:s1+$0x4070]  }
0x19e: {  	vm2 =	vlt.s32 v26, v4;
	v14 =	vld [tilespmem:s16+$0x4030];
	p0 =	slt.u32 s2, $0x7F8;
	[tilespmem:s1+$0x4010] =	vst v8;
	v8 =	vsub.f32 v26, v22;
	v22 =	vshrl.u32 v24, $0x11  }
0x19f: {  	v16 =	vmax.f32 v16, $0.0e+00;
	v26 =	vand.u32 $0x80000000, v15;
	v24 =	vld [tilespmem:s16+$0xC010];
	v20 =	vmax.f32 v20, $0.0e+00  }
0x1a0: {  	v16 =	vor.u32 v16, v17;
	v27 =	vld [tilespmem:s16+$0xC000];
	v8 =	vmax.f32 v8, $0.0e+00;
	v17 =	vor.u32 v20, v21  }
0x1a1: {  	v20 =	vld [tilespmem:s16+$0x14010];
	v8 =	vor.u32 v8, v26;
	v21 =	vand.u32 $0x7FFFFFFF, v23;
	v12 =	vsel vm1, v17, v12  }
0x1a2: {  	v17 =	vld [tilespmem:s16+$0x4020];
	v8 =	vsel vm2, v8, v15;
	v15 =	vshrl.u32 v21, $0x11;
	[tilespmem:s1+$0x4060] =	vst v12;
	v12 =	vand.u32 $0x7FFFFFFF, v25  }
0x1a3: {  	v5 =	vsel vm0, v16, v5;
	v21 =	vand.u32 $0x7FFFFFFF, v10;
	[tilespmem:v11+s20+$0x0] =	vst.idx.add.s32.msk $0xffff, v1;
	v11 =	vsub.f32 v12, v19  }
0x1a4: {  	v13 =	vand.u32 $0x7FFFFFFF, v13;
	v6 =	vsub.f32 v21, v6;
	vm0 =	vlt.s32 v21, v4;
	v16 =	vld [tilespmem:s16+$0xC020];
	[tilespmem:s1+$0x4040] =	vst v8  }
0x1a5: {  	v8 =	vand.u32 $0x80000000, v10;
	[tilespmem:v18+s20+$0x0] =	vst.idx.add.s32.msk $0xffff, v1;
	v11 =	vmax.f32 v11, $0.0e+00;
	v18 =	vand.u32 $0x80000000, v25  }
0x1a6: {  	vm1 =	vlt.s32 v12, v4;
	v6 =	vmax.f32 v6, $0.0e+00;
	v19 =	vld [tilespmem:s16+$0x14030];
	[tilespmem:s1+$0x4050] =	vst v5;
	v5 =	vor.u32 v11, v18  }
0x1a7: {  	v6 =	vor.u32 v6, v8;
	v11 =	vshrl.u32 v13, $0x11;
	[tilespmem:v15+s20+$0x0] =	vst.idx.add.s32.msk $0xffff, v1;
	v5 =	vsel vm1, v5, v25  }
0x1a8: {  	v6 =	vsel vm0, v6, v10;
	[tilespmem:v22+s20+$0x0] =	vst.idx.add.s32.msk $0xffff, v1  }
0x1a9: {  	v8 =	vld [tilespmem:s16+$0x4010];
	[tilespmem:s1+$0x4070] =	vst v5  }
0x1aa: {  	[tilespmem:v7+s20+$0x0] =	vst.idx.add.s32.msk $0xffff, v1  }
0x1ab: {  	v7 =	vld [tilespmem:s16+$0x14020];
	[tilespmem:s1+$0x4000] =	vst v6;
	s1 =	smov.u32 s16  }
0x1ac: {  	[tilespmem:v9+s20+$0x0] =	vst.idx.add.s32.msk $0xffff, v1  }
0x1ad: {  	[tilespmem:v11+s20+$0x0] =	vst.idx.add.s32.msk $0xffff, v1  }
0x1ae: {  	v9 =	vld [tilespmem:s1+$0x14050]  }
0x1af: {  	v10 =	vand.u32 $0x7FFFFFFF, v8;
	v5 =	vld [tilespmem:s1+$0x4050]  }
0x1b0: {  	v11 =	vand.u32 $0x7FFFFFFF, v17;
	v18 =	vand.u32 $0x80000000, v8;
	vm1 =	vlt.s32 v10, v4;
	v21 =	vld [tilespmem:s1+$0xC070]  }
0x1b1: {  	vm2 =	vlt.s32 v11, v4;
	v7 =	vsub.f32 v11, v7;
	v11 =	vand.u32 $0x7FFFFFFF, v16;
	v6 =	vld [tilespmem:s1+$0x14000]  }
0x1b2: {  	v13 =	vand.u32 $0x7FFFFFFF, v24;
	v15 =	vand.u32 $0x80000000, v17;
	v16 =	vld [tilespmem:s1+$0xC060]  }
0x1b3: {  	v23 =	vand.u32 $0x7FFFFFFF, v14;
	v7 =	vmax.f32 v7, $0.0e+00;
	v12 =	vld [tilespmem:s1+$0x4060]  }
0x1b4: {  	v10 =	vsub.f32 v10, v20;
	v24 =	vshrl.u32 v11, $0x11;
	v25 =	vand.u32 $0x7FFFFFFF, v5;
	v26 =	vld [tilespmem:s1+$0xC050]  }
0x1b5: {  	v28 =	vand.u32 $0x80000000, v14;
	v11 =	vshrl.u32 v13, $0x11;
	vm0 =	vlt.s32 v25, v4;
	v20 =	vld [tilespmem:s1+$0x14060]  }
0x1b6: {  	v29 =	vmax.f32 v10, $0.0e+00;
	v10 =	vsub.f32 v23, v19;
	v7 =	vor.u32 v7, v15;
	v15 =	vld [tilespmem:s1+$0x4040]  }
0x1b7: {  	v7 =	vsel vm2, v7, v17;
	v17 =	vand.u32 $0x7FFFFFFF, v21;
	v13 =	vld [tilespmem:s1+$0xC030];
	v30 =	vand.u32 $0x7FFFFFFF, v16  }
.Ltmp8:
0x1b8: {  	v16 =	vsub.f32 v25, v9;
	[tilespmem:s1+$0x4020] =	vst v7;
	v22 =	vld [tilespmem:s1+$0x14040];
	v21 =	vand.u32 $0x80000000, v12;
	v7 =	vshrl.u32 v17, $0x11;
	(pc) =	sbr.rel @p0 .LBB2_18-.Ltmp8, $4  }
0x1b9: {  	v9 =	vmax.f32 v10, $0.0e+00;
	v17 =	vand.u32 $0x80000000, v5;
	v25 =	vand.u32 $0x7FFFFFFF, v12;
	[tilespmem:v24+s20+$0x0] =	vst.idx.add.s32.msk $0xffff, v1  }
0x1ba: {  	v19 =	vand.u32 $0x7FFFFFFF, v27;
	vm2 =	vlt.s32 v23, v4;
	v24 =	vor.u32 v9, v28;
	v10 =	vld [tilespmem:s1+$0x4000]  }
0x1bb: {  	v9 =	vshrl.u32 v19, $0x11;
	v23 =	vsel vm2, v24, v14;
	v24 =	vand.u32 $0x7FFFFFFF, v26;
	v19 =	vld [tilespmem:s1+$0x14070]  }
0x1bc: {  	s15 =	sadd.s32 $0x200, s15;
	v14 =	vor.u32 v29, v18;
	v18 =	vshrl.u32 v30, $0x11;
	v26 =	vand.u32 $0x7FFFFFFF, v15;
	[tilespmem:s1+$0x4030] =	vst v23;
	v23 =	vld [tilespmem:s1+$0xC040]  }
0x1bd: {  	v20 =	vsub.f32 v25, v20;
	v8 =	vsel vm1, v14, v8;
	v14 =	vld [tilespmem:s1+$0x4070];
	v22 =	vsub.f32 v26, v22  }
0x1be: {  	vm13 =	vlt.s32 v25, v4;
	vm2 =	vlt.s32 v26, v4  }
0x1bf: {  	v60 =	vand.u32 $0x80000000, v15;
	[tilespmem:s1+$0x4010] =	vst v8;
	v20 =	vmax.f32 v20, $0.0e+00;
	v8 =	vmax.f32 v22, $0.0e+00  }
0x1c0: {  	v62 =	vshrl.u32 v24, $0x11;
	v20 =	vor.u32 v20, v21;
	v8 =	vor.u32 v8, v60  }
0x1c1: {  	[tilespmem:v11+s20+$0x0] =	vst.idx.add.s32.msk $0xffff, v1;
	v61 =	vand.u32 $0x7FFFFFFF, v23;
	v12 =	vsel vm13, v20, v12;
	v8 =	vsel vm2, v8, v15  }
0x1c2: {  	v21 =	vshrl.u32 v61, $0x11;
	[tilespmem:s1+$0x4060] =	vst v12;
	v12 =	vmax.f32 v16, $0.0e+00;
	v15 =	vand.u32 $0x7FFFFFFF, v14  }
0x1c3: {  	[tilespmem:s1+$0x4040] =	vst v8;
	v8 =	vand.u32 $0x7FFFFFFF, v13;
	v11 =	vor.u32 v12, v17;
	v63 =	vsub.f32 v15, v19  }
0x1c4: {  	v13 =	vand.u32 $0x80000000, v14;
	[tilespmem:v18+s20+$0x0] =	vst.idx.add.s32.msk $0xffff, v1;
	v8 =	vshrl.u32 v8, $0x11;
	v5 =	vsel vm0, v11, v5  }
0x1c5: {  	v12 =	vand.u32 $0x7FFFFFFF, v10;
	vm14 =	vlt.s32 v15, v4;
	v11 =	vmax.f32 v63, $0.0e+00;
	[tilespmem:s1+$0x4050] =	vst v5  }
0x1c6: {  	v6 =	vsub.f32 v12, v6;
	v11 =	vor.u32 v11, v13;
	[tilespmem:v62+s20+$0x0] =	vst.idx.add.s32.msk $0xffff, v1  }
0x1c7: {  	[tilespmem:v21+s20+$0x0] =	vst.idx.add.s32.msk $0xffff, v1;
	v11 =	vsel vm14, v11, v14  }
0x1c8: {  	v5 =	vand.u32 $0x80000000, v10;
	v6 =	vmax.f32 v6, $0.0e+00;
	[tilespmem:s1+$0x4070] =	vst v11  }
0x1c9: {  	vm15 =	vlt.s32 v12, v4;
	v4 =	vor.u32 v6, v5;
	[tilespmem:v8+s20+$0x0] =	vst.idx.add.s32.msk $0xffff, v1  }
0x1ca: {  	v4 =	vsel vm15, v4, v10;
	[tilespmem:v7+s20+$0x0] =	vst.idx.add.s32.msk $0xffff, v1  }
0x1cb: {  	[tilespmem:s1+$0x4000] =	vst v4  }
0x1cc: {  	s18 =	simm.s32 $0x4000;
	s15 =	simm.s32 $0x18020;
	[tilespmem:v9+s20+$0x0] =	vst.idx.add.s32.msk $0xffff, v1  }
0x1cd: {  	[hbm4b:s9+s13] =	stream.strided.scatter [tilespmem:s18], [sflag:$0x6], $0x4000, s14, s13, $0x38;
	[tilespmem:$0x1C500] =	vst v63  }
0x1ce: {  	v4 =	vld [tilespmem:s15+$0x10];
	_ =	sdelay $0x1  }
0x1cf: {  	v5 =	vld [tilespmem:s15+$0xFFFFFFF0]  }
0x1d0: {  	v6 =	vld [tilespmem:s15+$0x0]  }
0x1d1: {  	v7 =	vld [tilespmem:s15+$0xFFFFFFE0]  }
0x1d2: {  	s3 =	simm.s32 $0x18060;
	(xrf0) =	vadd.scan.msk.s32 $0xffff, v4  }
0x1d3: {  	v9 =	vld [tilespmem:s3+$0x10]  }
0x1d4: {  	s16 =	simm.s32 $0x1;
	s2 =	simm.s32 $0x0;
	(xrf0) =	vadd.scan.msk.s32 $0xffff, v5  }
0x1d5: {  	s17 =	simm.s32 $0x2;
	v8 =	vmov s2;
	s2 =	simm.s32 $0x3;
	v12 =	vld [tilespmem:s3+$0xFFFFFFF0];
	v4 =	vmov s16;
	(xrf0) =	vadd.scan.msk.s32 $0xffff, v6  }
0x1d6: {  	v10 =	vmov s2;
	v11 =	vld [tilespmem:s3+$0x0];
	v4 =	vand.u32 $0xFFFFFFFD, v4;
	v5 =	vmov s17;
	(xrf0) =	vadd.scan.msk.s32 $0xffff, v7  }
0x1d7: {  	s1 =	simm.s32 $0x4;
	s15 =	simm.s32 $0x8;
	v13 =	vld [tilespmem:s3+$0xFFFFFFE0];
	v5 =	vand.u32 $0xFFFFFFFE, v5;
	v6 =	vand.u32 $0xFFFFFFFC, v8;
	v7 =	vbroadcast v4, $0x0  }
0x1d8: {  	s3 =	simm.s32 $0x5;
	s16 =	simm.s32 $0x4;
	s17 =	simm.s32 $0x180A0;
	v8 =	vbroadcast v5, $0x0;
	(xrf0) =	vadd.scan.msk.s32 $0xffff, v9;
	v9 =	vbroadcast v6, $0x0;
	v14, _, _ =	vpop (xrf0)  }
.LBB2_20:
0x1d9: {  	p0 =	slt.u32 s15, $0x3FC  }
0x1da: {  	v15 =	vld [tilespmem:s17+$0x10];
	v16 =	vmov s16;
	v17 =	vmov s3;
	s3 =	sadd.s32 $0x2, s16;
	(xrf0) =	vadd.scan.msk.s32 $0xffff, v12;
	v21 =	vbroadcast v14, $0xF;
	v18, _, _ =	vpop (xrf0);
	s4 =	smov.u32 s15;
	s15 =	sadd.s32 $0x4, s15  }
.Ltmp9:
0x1db: {  	v12 =	vld [tilespmem:s17+$0xFFFFFFF0];
	v17 =	vand.u32 $0xFFFFFFFD, v17;
	v19 =	vmov s3;
	(xrf0) =	vadd.scan.msk.s32 $0xffff, v11;
	v18 =	vbroadcast v18, $0xF;
	v20, _, _ =	vpop (xrf0);
	(pc) =	sbr.rel @p0 .LBB2_20-.Ltmp9, $4  }
0x1dc: {  	s3 =	sadd.s32 $0x3, s16;
	s16 =	smov.u32 s4;
	v11 =	vld [tilespmem:s17+$0x0];
	v19 =	vand.u32 $0xFFFFFFFE, v19;
	(xrf0) =	vadd.scan.msk.s32 $0xffff, v13;
	v20 =	vbroadcast v20, $0xF;
	[tilespmem:v10+s22+$0x0] =	vst.idx.msk $0x1, v21;
	v14, _, _ =	vpop (xrf0)  }
0x1dd: {  	v10 =	vmov s3;
	v13 =	vld [tilespmem:s17+$0xFFFFFFE0];
	v21 =	vbroadcast v14, $0xF;
	[tilespmem:v7+s22+$0x0] =	vst.idx.msk $0x1, v18;
	v7 =	vbroadcast v17, $0x0  }
0x1de: {  	v16 =	vand.u32 $0xFFFFFFFC, v16;
	[tilespmem:v8+s22+$0x0] =	vst.idx.msk $0x1, v20;
	v8 =	vbroadcast v19, $0x0  }
0x1df: {  	s3 =	sadd.s32 $0x1, s16;
	s17 =	sadd.s32 $0x40, s17;
	(xrf0) =	vadd.scan.msk.s32 $0xffff, v15;
	v14, _, _ =	vpop (xrf0);
	[tilespmem:v9+s22+$0x0] =	vst.idx.msk $0x1, v21;
	v9 =	vbroadcast v16, $0x0  }
0x1e0: {  	_ =	sdelay $0x1  }
0x1e1: {  	(xrf0) =	vadd.scan.msk.s32 $0xffff, v12;
	v57 =	vmov s16;
	v15 =	vmov s3;
	s4 =	sadd.s32 $0x2, s16;
	v14 =	vbroadcast v14, $0xF;
	v16, _, _ =	vpop (xrf0)  }
0x1e2: {  	s15 =	sadd.s32 $0x3, s16;
	(xrf0) =	vadd.scan.msk.s32 $0xffff, v11;
	v11 =	vand.u32 $0xFFFFFFFD, v15;
	v58 =	vmov s4;
	v16 =	vbroadcast v16, $0xF;
	v59, _, _ =	vpop (xrf0)  }
0x1e3: {  	v17 =	vmov s15;
	(xrf0) =	vadd.scan.msk.s32 $0xffff, v13;
	v13 =	vbroadcast v59, $0xF;
	[tilespmem:v10+s22+$0x0] =	vst.idx.msk $0x1, v14;
	v10, _, _ =	vpop (xrf0)  }
0x1e4: {  	v15 =	vand.u32 $0xFFFFFFFE, v58;
	v11 =	vbroadcast v11, $0x0;
	v10 =	vbroadcast v10, $0xF;
	v61, _, _ =	vpop (xrf0)  }
0x1e5: {  	v12 =	vand.u32 $0xFFFFFFFC, v57;
	v60 =	vbroadcast v15, $0x0;
	[tilespmem:v8+s22+$0x0] =	vst.idx.msk $0x1, v13;
	v8 =	vbroadcast v61, $0xF  }
0x1e6: {  	[tilespmem:v7+s22+$0x0] =	vst.idx.msk $0x1, v16;
	v7 =	vbroadcast v12, $0x0  }
0x1e7: {  	v62, _, _ =	vpop (xrf0)  }
0x1e8: {  	[tilespmem:v9+s22+$0x0] =	vst.idx.msk $0x1, v10;
	v9 =	vbroadcast v62, $0xF;
	v10, _, _ =	vpop (xrf0)  }
0x1e9: {  	v10 =	vbroadcast v10, $0xF;
	[tilespmem:v17+s22+$0x0] =	vst.idx.msk $0x1, v8;
	v8, _, _ =	vpop (xrf0)  }
0x1ea: {  	[tilespmem:v11+s22+$0x0] =	vst.idx.msk $0x1, v9;
	v8 =	vbroadcast v8, $0xF  }
0x1eb: {  	[tilespmem:v60+s22+$0x0] =	vst.idx.msk $0x1, v10  }
0x1ec: {  	s16 =	simm.s32 $0x1C020;
	[tilespmem:v7+s22+$0x0] =	vst.idx.msk $0x1, v8  }
0x1ed: {  	v7 =	vld [tilespmem:s16+$0x10];
	_ =	sdelay $0x1  }
0x1ee: {  	v8 =	vld [tilespmem:s16+$0xFFFFFFF0]  }
0x1ef: {  	v9 =	vld [tilespmem:s16+$0x0]  }
0x1f0: {  	v11 =	vld [tilespmem:s16+$0xFFFFFFE0]  }
0x1f1: {  	s17 =	simm.s32 $0x1C060;
	(xrf0) =	vadd.scan.msk.s32 $0xffff, v7  }
0x1f2: {  	v63 =	vld [tilespmem:s17+$0x10]  }
0x1f3: {  	(xrf0) =	vadd.scan.msk.s32 $0xffff, v8  }
0x1f4: {  	v10 =	vld [tilespmem:s17+$0xFFFFFFF0];
	(xrf0) =	vadd.scan.msk.s32 $0xffff, v9  }
0x1f5: {  	v8 =	vld [tilespmem:s17+$0x0];
	(xrf0) =	vadd.scan.msk.s32 $0xffff, v11  }
0x1f6: {  	v4 =	vbroadcast v4, $0x0;
	v7 =	vmov s2;
	v9 =	vld [tilespmem:s17+$0xFFFFFFE0]  }
0x1f7: {  	v5 =	vbroadcast v5, $0x0;
	s3 =	simm.s32 $0x5;
	v6 =	vbroadcast v6, $0x0;
	s15 =	simm.s32 $0x8;
	s16 =	simm.s32 $0x1C0A0;
	(xrf0) =	vadd.scan.msk.s32 $0xffff, v63;
	v11, _, _ =	vpop (xrf0)  }
.LBB2_22:
0x1f8: {  	p0 =	slt.u32 s15, $0x3C  }
0x1f9: {  	v12 =	vld [tilespmem:s16+$0x10];
	v13 =	vmov s1;
	v14 =	vmov s3;
	s2 =	sadd.s32 $0x2, s1;
	(xrf0) =	vadd.scan.msk.s32 $0xffff, v10;
	v18 =	vbroadcast v11, $0xF;
	v15, _, _ =	vpop (xrf0);
	s3 =	smov.u32 s15;
	s15 =	sadd.s32 $0x4, s15  }
.Ltmp10:
0x1fa: {  	v10 =	vld [tilespmem:s16+$0xFFFFFFF0];
	v14 =	vand.u32 $0xFFFFFFFD, v14;
	v16 =	vmov s2;
	(xrf0) =	vadd.scan.msk.s32 $0xffff, v8;
	s2 =	simm.s32 $0x1C400;
	v15 =	vbroadcast v15, $0xF;
	v17, _, _ =	vpop (xrf0);
	(pc) =	sbr.rel @p0 .LBB2_22-.Ltmp10, $4  }
0x1fb: {  	s4 =	sadd.s32 $0x3, s1;
	s1 =	smov.u32 s3;
	v8 =	vld [tilespmem:s16+$0x0];
	v16 =	vand.u32 $0xFFFFFFFE, v16;
	(xrf0) =	vadd.scan.msk.s32 $0xffff, v9;
	v17 =	vbroadcast v17, $0xF;
	[tilespmem:v7+s2+$0x0] =	vst.idx.msk $0x1, v18;
	v11, _, _ =	vpop (xrf0)  }
0x1fc: {  	v7 =	vmov s4;
	v9 =	vld [tilespmem:s16+$0xFFFFFFE0];
	v18 =	vbroadcast v11, $0xF;
	[tilespmem:v4+s2+$0x0] =	vst.idx.msk $0x1, v15;
	v4 =	vbroadcast v14, $0x0  }
0x1fd: {  	v13 =	vand.u32 $0xFFFFFFFC, v13;
	[tilespmem:v5+s2+$0x0] =	vst.idx.msk $0x1, v17;
	v5 =	vbroadcast v16, $0x0  }
0x1fe: {  	s3 =	sadd.s32 $0x1, s1;
	s16 =	sadd.s32 $0x40, s16;
	(xrf0) =	vadd.scan.msk.s32 $0xffff, v12;
	v11, _, _ =	vpop (xrf0);
	[tilespmem:v6+s2+$0x0] =	vst.idx.msk $0x1, v18;
	v6 =	vbroadcast v13, $0x0  }
0x1ff: {  	_ =	sdelay $0x1  }
0x200: {  	(xrf0) =	vadd.scan.msk.s32 $0xffff, v10;
	v57 =	vmov s1;
	v12 =	vmov s3;
	s4 =	sadd.s32 $0x2, s1;
	v11 =	vbroadcast v11, $0xF;
	v13, _, _ =	vpop (xrf0)  }
0x201: {  	s15 =	sadd.s32 $0x3, s1;
	(xrf0) =	vadd.scan.msk.s32 $0xffff, v8;
	v58 =	vand.u32 $0xFFFFFFFD, v12;
	v59 =	vmov s4;
	v13 =	vbroadcast v13, $0xF;
	v60, _, _ =	vpop (xrf0)  }
0x202: {  	v14 =	vmov s15;
	(xrf0) =	vadd.scan.msk.s32 $0xffff, v9;
	v9 =	vbroadcast v60, $0xF;
	[tilespmem:v7+s2+$0x0] =	vst.idx.msk $0x1, v11;
	v7, _, _ =	vpop (xrf0)  }
0x203: {  	v12 =	vand.u32 $0xFFFFFFFE, v59;
	v8 =	vbroadcast v58, $0x0;
	v7 =	vbroadcast v7, $0xF;
	v62, _, _ =	vpop (xrf0)  }
0x204: {  	v10 =	vand.u32 $0xFFFFFFFC, v57;
	v61 =	vbroadcast v12, $0x0;
	[tilespmem:v5+s2+$0x0] =	vst.idx.msk $0x1, v9;
	v5 =	vbroadcast v62, $0xF  }
0x205: {  	[tilespmem:v4+s2+$0x0] =	vst.idx.msk $0x1, v13;
	v4 =	vbroadcast v10, $0x0  }
0x206: {  	v63, _, _ =	vpop (xrf0)  }
0x207: {  	[tilespmem:v6+s2+$0x0] =	vst.idx.msk $0x1, v7;
	v6 =	vbroadcast v63, $0xF;
	v7, _, _ =	vpop (xrf0)  }
0x208: {  	v7 =	vbroadcast v7, $0xF;
	[tilespmem:v14+s2+$0x0] =	vst.idx.msk $0x1, v5;
	v5, _, _ =	vpop (xrf0)  }
0x209: {  	[tilespmem:v8+s2+$0x0] =	vst.idx.msk $0x1, v6;
	v5 =	vbroadcast v5, $0xF  }
0x20a: {  	[tilespmem:v61+s2+$0x0] =	vst.idx.msk $0x1, v7  }
0x20b: {  	[tilespmem:v4+s2+$0x0] =	vst.idx.msk $0x1, v5  }
0x20c: {  	v4 =	vld [tilespmem:s2+$0x0];
	_ =	sdelay $0x4  }
0x20d: {  	s16 =	simm.s32 $0x1C410;
	(xrf0) =	vadd.scan.msk.s32 $0xffff, v4  }
0x20e: {  	v5 =	vld [tilespmem:s16+$0x0];
	_ =	sdelay $0x1  }
0x20f: {  	s17 =	simm.s32 $0x0  }
0x210: {  	v4 =	vmov s17;
	_ =	sdelay $0x1  }
0x211: {  	s1 =	simm.s32 $0x1;
	s3 =	simm.s32 $0x1C420;
	s2 =	simm.s32 $0x2;
	(xrf0) =	vadd.scan.msk.s32 $0xffff, v5;
	v5, _, _ =	vpop (xrf0)  }
.LBB2_24:
0x212: {  	v6 =	vld [tilespmem:s3+$0x0];
	p0 =	sne.s32 s2, $0x3;
	v5 =	vbroadcast v5, $0xF;
	s4 =	smov.u32 s2;
	s2 =	sadd.s32 $0x1, s2  }
.Ltmp11:
0x213: {  	(pc) =	sbr.rel @p0 .LBB2_24-.Ltmp11, $3  }
0x214: {  	[tilespmem:v4+s23+$0x0] =	vst.idx.msk $0x1, v5  }
0x215: {  	v4 =	vmov s1;
	s1 =	smov.u32 s4;
	_ =	sdelay $0x1  }
0x216: {  	s3 =	sadd.s32 $0x10, s3;
	(xrf0) =	vadd.scan.msk.s32 $0xffff, v6;
	v5, _, _ =	vpop (xrf0)  }
0x217: {  	_ =	sdelay $0x2  }
0x218: {  	v6 =	vmov s1;
	_ =	sdelay $0x1  }
0x219: {  	v5 =	vbroadcast v5, $0xF;
	v7, _, _ =	vpop (xrf0)  }
0x21a: {  	v7 =	vbroadcast v7, $0xF  }
0x21b: {  	[tilespmem:v4+s23+$0x0] =	vst.idx.msk $0x1, v5  }
0x21c: {  	[tilespmem:v6+s23+$0x0] =	vst.idx.msk $0x1, v7  }
0x21d: {  	v4 =	vld [tilespmem:$0x1C480];
	_ =	sdelay $0x4  }
0x21e: {  	v4 =	vperm.xlane v4, v2;
	_ =	sdelay $0x1  }
0x21f: {  	(xrf0) =	vadd.scan.msk.s32 $0xffff, v4;
	_ =	sdelay $0x5  }
0x220: {  	v5, _, _ =	vpop (xrf0)  }
0x221: {  	vm0 =	vgt.s32 v5, $0xCCB  }
0x222: {  	v6 =	vsel vm0, $0x1, v0  }
0x223: {  	(xrf0) =	vadd.scan.msk.s32 $0xffff, v6;
	_ =	sdelay $0x5  }
0x224: {  	v6, _, _ =	vpop (xrf0)  }
0x225: {  	vm1 =	veq.s32 v6, $0x1  }
0x226: {  	vm0 =	vmand vm0, vm1  }
0x227: {  	v6 =	vnsel vm0, $0x7FFFFFFF, v3  }
0x228: {  	(xrf0) =	vmax.scan.msk.u32 $0xffff, v6;
	_ =	sdelay $0x5  }
0x229: {  	v6, _, _ =	vpop (xrf0)  }
0x22a: {  	(v2sf) =	vpush v6, $0xF;
	_ =	sdelay $0x3  }
0x22b: {  	v4 =	vsub.s32 v5, v4  }
0x22c: {  	v4 =	vxor.u32 $0x80000000, v4  }
0x22d: {  	v4 =	vnsel vm0, $0x7FFFFFFF, v4  }
0x22e: {  	(xrf0) =	vmax.scan.msk.u32 $0xffff, v4;
	_ =	sdelay $0x5  }
0x22f: {  	v4, _, _ =	vpop (xrf0)  }
0x230: {  	(v2sf) =	vpush v4, $0xF  }
0x231: {  	s3 =	spop (v2sf)  }
0x232: {  	s1 =	sshll.u32 s3, $0x4  }
0x233: {  	v4 =	vld [tilespmem:s1+$0x1C400];
	_ =	sdelay $0x4  }
0x234: {  	v4 =	vperm.xlane v4, v2;
	_ =	sdelay $0x1  }
0x235: {  	(xrf0) =	vadd.scan.msk.s32 $0xffff, v4;
	_ =	sdelay $0x4  }
0x236: {  	s2 =	spop (v2sf)  }
0x237: {  	s2 =	sxor.u32 $0x80000000, s2;
	v5, _, _ =	vpop (xrf0)  }
0x238: {  	v5 =	vadd.s32 s2, v5  }
0x239: {  	vm0 =	vgt.s32 v5, $0xCCB  }
0x23a: {  	v6 =	vsel vm0, $0x1, v0  }
0x23b: {  	(xrf0) =	vadd.scan.msk.s32 $0xffff, v6;
	_ =	sdelay $0x5  }
0x23c: {  	v6, _, _ =	vpop (xrf0)  }
0x23d: {  	vm1 =	veq.s32 v6, $0x1  }
0x23e: {  	vm0 =	vmand vm0, vm1  }
0x23f: {  	v6 =	vnsel vm0, $0x7FFFFFFF, v3  }
0x240: {  	(xrf0) =	vmax.scan.msk.u32 $0xffff, v6;
	_ =	sdelay $0x5  }
0x241: {  	v6, _, _ =	vpop (xrf0)  }
0x242: {  	(v2sf) =	vpush v6, $0xF;
	_ =	sdelay $0x4  }
0x243: {  	v4 =	vsub.s32 v5, v4  }
0x244: {  	v4 =	vxor.u32 $0x80000000, v4  }
0x245: {  	v4 =	vnsel vm0, $0x7FFFFFFF, v4  }
0x246: {  	(xrf0) =	vmax.scan.msk.u32 $0xffff, v4;
	_ =	sdelay $0x5  }
0x247: {  	v4, _, _ =	vpop (xrf0)  }
0x248: {  	s4 =	spop (v2sf);
	(v2sf) =	vpush v4, $0xF  }
0x249: {  	s1 =	sadd.s32 s1, s4  }
0x24a: {  	s1 =	sshll.u32 s1, $0x4  }
0x24b: {  	v4 =	vld [tilespmem:s1+$0x1C000];
	_ =	sdelay $0x4  }
0x24c: {  	v4 =	vperm.xlane v4, v2;
	_ =	sdelay $0x1  }
0x24d: {  	(xrf0) =	vadd.scan.msk.s32 $0xffff, v4;
	_ =	sdelay $0x4  }
0x24e: {  	s15 =	spop (v2sf)  }
0x24f: {  	s2 =	sxor.u32 $0x80000000, s15;
	v5, _, _ =	vpop (xrf0)  }
0x250: {  	v5 =	vadd.s32 s2, v5  }
0x251: {  	vm0 =	vgt.s32 v5, $0xCCB  }
0x252: {  	v6 =	vsel vm0, $0x1, v0  }
0x253: {  	(xrf0) =	vadd.scan.msk.s32 $0xffff, v6;
	_ =	sdelay $0x5  }
0x254: {  	v6, _, _ =	vpop (xrf0)  }
0x255: {  	vm1 =	veq.s32 v6, $0x1  }
0x256: {  	vm0 =	vmand vm0, vm1  }
0x257: {  	v6 =	vnsel vm0, $0x7FFFFFFF, v3  }
0x258: {  	(xrf0) =	vmax.scan.msk.u32 $0xffff, v6;
	_ =	sdelay $0x5  }
0x259: {  	v6, _, _ =	vpop (xrf0)  }
0x25a: {  	(v2sf) =	vpush v6, $0xF;
	_ =	sdelay $0x4  }
0x25b: {  	v4 =	vsub.s32 v5, v4  }
0x25c: {  	v4 =	vxor.u32 $0x80000000, v4  }
0x25d: {  	v4 =	vnsel vm0, $0x7FFFFFFF, v4  }
0x25e: {  	(xrf0) =	vmax.scan.msk.u32 $0xffff, v4;
	_ =	sdelay $0x5  }
0x25f: {  	v4, _, _ =	vpop (xrf0)  }
0x260: {  	s16 =	spop (v2sf);
	(v2sf) =	vpush v4, $0xF  }
0x261: {  	s1 =	sadd.s32 s1, s16  }
0x262: {  	s3 =	sshll.u32 s1, $0x4  }
0x263: {  	v4 =	vld [tilespmem:s3+$0x18000];
	_ =	sdelay $0x4  }
0x264: {  	v4 =	vperm.xlane v4, v2;
	_ =	sdelay $0x1  }
0x265: {  	(xrf0) =	vadd.scan.msk.s32 $0xffff, v4;
	_ =	sdelay $0x4  }
0x266: {  	s17 =	spop (v2sf)  }
0x267: {  	s1 =	sxor.u32 $0x80000000, s17;
	v4, _, _ =	vpop (xrf0)  }
0x268: {  	v4 =	vadd.s32 s1, v4  }
0x269: {  	vm0 =	vgt.s32 v4, $0xCCB  }
0x26a: {  	v4 =	vsel vm0, $0x1, v0  }
0x26b: {  	(xrf0) =	vadd.scan.msk.s32 $0xffff, v4;
	_ =	sdelay $0x5  }
0x26c: {  	v4, _, _ =	vpop (xrf0)  }
0x26d: {  	vm1 =	veq.s32 v4, $0x1  }
0x26e: {  	vm0 =	vmand vm0, vm1  }
0x26f: {  	v4 =	vnsel vm0, $0x7FFFFFFF, v3  }
0x270: {  	(xrf0) =	vmax.scan.msk.u32 $0xffff, v4;
	_ =	sdelay $0x5  }
0x271: {  	v4, _, _ =	vpop (xrf0)  }
0x272: {  	s2 =	simm.s32 $0x10040;
	(v2sf) =	vpush v4, $0xF  }
0x273: {  	v22 =	vld [tilespmem:s2+$0xFFFFFFC0]  }
0x274: {  	v24 =	vld [tilespmem:s2+$0xFFFFFFD0];
	s1 =	simm.s32 $0x8040  }
0x275: {  	v12 =	vld [tilespmem:s1+$0x30]  }
0x276: {  	v8 =	vld [tilespmem:s1+$0xFFFFFFD0]  }
0x277: {  	v10 =	vld [tilespmem:s1+$0xFFFFFFE0]  }
0x278: {  	v9 =	vld [tilespmem:s1+$0xFFFFFFF0]  }
0x279: {  	v6 =	vld [tilespmem:s1+$0x0]  }
0x27a: {  	v5 =	vld [tilespmem:s1+$0x10]  }
0x27b: {  	v11 =	vld [tilespmem:s1+$0xFFFFFFC0]  }
0x27c: {  	v4 =	vld [tilespmem:s2+$0x30]  }
0x27d: {  	v27 =	vld [tilespmem:s2+$0xFFFFFFE0];
	v13 =	vand.u32 $0x7FFFFFFF, v12;
	v19 =	vand.u32 $0x7FFFFFFF, v8  }
0x27e: {  	v28 =	vld [tilespmem:s2+$0xFFFFFFF0];
	v20 =	vand.u32 $0x80000000, v8;
	v21 =	vand.u32 $0x7FFFFFFF, v10;
	v15 =	vand.u32 $0x80000000, v12  }
0x27f: {  	v23 =	vand.u32 $0x7FFFFFFF, v9;
	v16 =	vand.u32 $0x80000000, v10;
	v26 =	vand.u32 $0x7FFFFFFF, v6  }
0x280: {  	v17 =	vand.u32 $0x80000000, v9;
	v18 =	vand.u32 $0x7FFFFFFF, v5;
	v24 =	vsub.f32 v19, v24  }
0x281: {  	v29 =	vand.u32 $0x7FFFFFFF, v11;
	v62 =	vand.u32 $0x80000000, v11;
	v14 =	vsub.f32 v13, v4;
	s4 =	spop (v2sf)  }
0x282: {  	v30 =	vld [tilespmem:s2+$0x0];
	v22 =	vsub.f32 v29, v22;
	v27 =	vsub.f32 v21, v27;
	v63 =	vmax.f32 v24, $0.0e+00;
	s3 =	sadd.s32 s3, s4  }
0x283: {  	v7 =	vld [tilespmem:s1+$0x20];
	v24 =	vsub.f32 v23, v28;
	v20 =	vor.u32 v63, v20;
	v14 =	vmax.f32 v14, $0.0e+00;
	s3 =	sshll.u32 s3, $0x11  }
0x284: {  	v14 =	vor.u32 v14, v15;
	v15 =	vand.u32 $0x80000000, v6;
	v4 =	vmov s3  }
0x285: {  	vm0 =	vlt.s32 v13, v4;
	vm3 =	vlt.s32 v19, v4;
	v19 =	vmax.f32 v22, $0.0e+00;
	v22 =	vld [tilespmem:s2+$0x10]  }
0x286: {  	v13 =	vand.u32 $0x80000000, v5;
	vm5 =	vlt.s32 v29, v4;
	vm4 =	vlt.s32 v21, v4;
	v21 =	vld [tilespmem:s2+$0x20]  }
0x287: {  	vm2 =	vlt.s32 v23, v4;
	vm1 =	vlt.s32 v26, v4;
	v23 =	vsub.f32 v26, v30  }
0x288: {  	v25 =	vsel vm0, v14, v12;
	v14 =	vand.u32 $0x7FFFFFFF, v7;
	v12 =	vand.u32 $0x80000000, v7  }
0x289: {  	s15 =	simm.s32 $0x0;
	s16 =	simm.s32 $0x80C0;
	vm0 =	vlt.s32 v18, v4;
	v19 =	vor.u32 v19, v62;
	[tilespmem:s1+$0x30] =	vst v25;
	v25 =	vmax.f32 v27, $0.0e+00  }
.LBB2_26:
0x28a: {  	v26 =	vld [tilespmem:s16+$0x30];
	s15 =	sadd.s32 $0x8, s15;
	v16 =	vor.u32 v25, v16;
	v24 =	vmax.f32 v24, $0.0e+00;
	v18 =	vsub.f32 v18, v22;
	s2 =	sadd.s32 $0x80, s2  }
0x28b: {  	v22 =	vld [tilespmem:s2+$0x30];
	p0 =	slt.u32 s15, $0x3F8;
	v17 =	vor.u32 v24, v17;
	v23 =	vmax.f32 v23, $0.0e+00;
	v21 =	vsub.f32 v14, v21  }
0x28c: {  	vm6 =	vlt.s32 v14, v4;
	v24 =	vld [tilespmem:s16+$0xFFFFFFD0];
	v15 =	vor.u32 v23, v15;
	v18 =	vmax.f32 v18, $0.0e+00  }
0x28d: {  	v11 =	vsel vm5, v19, v11;
	v14 =	vld [tilespmem:s16+$0xFFFFFFE0];
	v13 =	vor.u32 v18, v13;
	v18 =	vmax.f32 v21, $0.0e+00  }
0x28e: {  	v8 =	vsel vm3, v20, v8;
	v10 =	vsel vm4, v16, v10;
	v19 =	vld [tilespmem:s16+$0xFFFFFFF0];
	[tilespmem:s1+$0xFFFFFFC0] =	vst v11;
	v11 =	vor.u32 v18, v12  }
0x28f: {  	v16 =	vsel vm2, v17, v9;
	v9 =	vsel vm1, v15, v6;
	v12 =	vand.u32 $0x7FFFFFFF, v26;
	[tilespmem:s1+$0xFFFFFFD0] =	vst v8;
	v6 =	vld [tilespmem:s16+$0x0]  }
0x290: {  	v13 =	vsel vm0, v13, v5;
	v17 =	vsel vm6, v11, v7;
	v15 =	vsub.f32 v12, v22;
	[tilespmem:s1+$0xFFFFFFE0] =	vst v10;
	v5 =	vld [tilespmem:s16+$0x10]  }
0x291: {  	v20 =	vand.u32 $0x7FFFFFFF, v24;
	v23 =	vand.u32 $0x80000000, v24;
	v7 =	vld [tilespmem:s16+$0x20];
	[tilespmem:s1+$0xFFFFFFF0] =	vst v16;
	v8 =	vmov v24  }
0x292: {  	v16 =	vand.u32 $0x80000000, v26;
	v11 =	vld [tilespmem:s16+$0xFFFFFFC0];
	v24 =	vand.u32 $0x7FFFFFFF, v14;
	v15 =	vmax.f32 v15, $0.0e+00;
	[tilespmem:s1+$0x0] =	vst v9;
	v10 =	vmovc v14  }
0x293: {  	vm0 =	vlt.s32 v12, v4;
	v21 =	vld [tilespmem:s2+$0xFFFFFFC0];
	v25 =	vand.u32 $0x7FFFFFFF, v19;
	v14 =	vor.u32 v15, v16;
	[tilespmem:s1+$0x10] =	vst v13;
	v9 =	vmovc v19  }
0x294: {  	v16 =	vand.u32 $0x80000000, v10;
	v19 =	vld [tilespmem:s2+$0xFFFFFFD0];
	v27 =	vand.u32 $0x7FFFFFFF, v6;
	v12 =	vsel vm0, v14, v26;
	[tilespmem:s1+$0x20] =	vst v17;
	s1 =	smov.u32 s16  }
0x295: {  	v17 =	vand.u32 $0x80000000, v9;
	v15 =	vand.u32 $0x80000000, v6;
	v26 =	vld [tilespmem:s2+$0xFFFFFFE0];
	v18 =	vand.u32 $0x7FFFFFFF, v5;
	[tilespmem:s16+$0x30] =	vst v12  }
0x296: {  	v13 =	vand.u32 $0x80000000, v5;
	v28 =	vld [tilespmem:s2+$0xFFFFFFF0];
	v14 =	vand.u32 $0x7FFFFFFF, v7;
	v12 =	vand.u32 $0x80000000, v7  }
0x297: {  	vm3 =	vlt.s32 v20, v4;
	v22 =	vand.u32 $0x7FFFFFFF, v11;
	v29 =	vand.u32 $0x80000000, v11;
	v30 =	vld [tilespmem:s2+$0x0]  }
.Ltmp12:
0x298: {  	vm4 =	vlt.s32 v24, v4;
	v31 =	vsub.f32 v22, v21;
	vm5 =	vlt.s32 v22, v4;
	v22 =	vld [tilespmem:s2+$0x10];
	(pc) =	sbr.rel @p0 .LBB2_26-.Ltmp12, $4  }
0x299: {  	vm2 =	vlt.s32 v25, v4;
	vm1 =	vlt.s32 v27, v4;
	v20 =	vsub.f32 v20, v19;
	v21 =	vld [tilespmem:s2+$0x20]  }
0x29a: {  	vm0 =	vlt.s32 v18, v4;
	v19 =	vmax.f32 v31, $0.0e+00;
	v26 =	vsub.f32 v24, v26  }
0x29b: {  	v19 =	vor.u32 v19, v29;
	v20 =	vmax.f32 v20, $0.0e+00;
	v24 =	vsub.f32 v25, v28  }
0x29c: {  	s16 =	sadd.s32 $0x80, s16;
	v20 =	vor.u32 v20, v23;
	v25 =	vmax.f32 v26, $0.0e+00;
	v23 =	vsub.f32 v27, v30  }
0x29d: {  	v16 =	vor.u32 v25, v16;
	v24 =	vmax.f32 v24, $0.0e+00;
	v11 =	vsel vm5, v19, v11  }
0x29e: {  	v18 =	vsub.f32 v18, v22;
	v8 =	vsel vm3, v20, v8;
	v17 =	vor.u32 v24, v17;
	[tilespmem:s1+$0xFFFFFFC0] =	vst v11  }
0x29f: {  	v11 =	vmax.f32 v23, $0.0e+00;
	v19 =	vsub.f32 v14, v21;
	v10 =	vsel vm4, v16, v10;
	[tilespmem:s1+$0xFFFFFFD0] =	vst v8  }
0x2a0: {  	v8 =	vor.u32 v11, v15;
	v11 =	vmax.f32 v18, $0.0e+00;
	v9 =	vsel vm2, v17, v9;
	[tilespmem:s1+$0xFFFFFFE0] =	vst v10  }
0x2a1: {  	v10 =	vor.u32 v11, v13;
	v11 =	vmax.f32 v19, $0.0e+00;
	v6 =	vsel vm1, v8, v6;
	[tilespmem:s1+$0xFFFFFFF0] =	vst v9  }
0x2a2: {  	vm1 =	vlt.s32 v14, v4;
	v8 =	vor.u32 v11, v12;
	v5 =	vsel vm0, v10, v5;
	[tilespmem:s1+$0x0] =	vst v6  }
0x2a3: {  	v6 =	vsel vm1, v8, v7;
	[tilespmem:s1+$0x10] =	vst v5  }
0x2a4: {  	s3 =	simm.s32 $0x8000;
	[tilespmem:s1+$0x20] =	vst v6;
	s1 =	simm.s32 $0x0  }
0x2a5: {  	[hbm4b:s10+s13] =	stream.strided.scatter [tilespmem:s3], [sflag:$0x7], $0x4000, s14, s13, $0x38;
	[tilespmem:$0x1C500] =	vst v63  }
0x2a6: {  	v12 =	vld [tilespmem:s1+$0xC070]  }
0x2a7: {  	v7 =	vld [tilespmem:s1+$0x14070]  }
0x2a8: {  	v11 =	vld [tilespmem:s1+$0xC000]  }
0x2a9: {  	v10 =	vld [tilespmem:s1+$0xC010]  }
0x2aa: {  	v8 =	vld [tilespmem:s1+$0xC020]  }
0x2ab: {  	v6 =	vld [tilespmem:s1+$0xC030]  }
0x2ac: {  	v5 =	vld [tilespmem:s1+$0xC040]  }
0x2ad: {  	v23 =	vld [tilespmem:s1+$0x14000];
	v13 =	vand.u32 $0x7FFFFFFF, v12  }
0x2ae: {  	v26 =	vld [tilespmem:s1+$0x14010];
	v21 =	vand.u32 $0x7FFFFFFF, v11;
	v24 =	vand.u32 $0x80000000, v11;
	v22 =	vand.u32 $0x7FFFFFFF, v10  }
0x2af: {  	v29 =	vld [tilespmem:s1+$0x14020];
	v15 =	vand.u32 $0x80000000, v12;
	v25 =	vand.u32 $0x7FFFFFFF, v8;
	v17 =	vand.u32 $0x80000000, v10  }
0x2b0: {  	v28 =	vand.u32 $0x7FFFFFFF, v6;
	v18 =	vand.u32 $0x80000000, v8;
	v16 =	vand.u32 $0x80000000, v6  }
0x2b1: {  	v9 =	vld [tilespmem:s1+$0xC060];
	v20 =	vand.u32 $0x7FFFFFFF, v5;
	v14 =	vsub.f32 v13, v7;
	vm0 =	vlt.s32 v13, v4  }
0x2b2: {  	v7 =	vld [tilespmem:s1+$0xC050];
	vm4 =	vlt.s32 v21, v4;
	v23 =	vsub.f32 v21, v23;
	vm5 =	vlt.s32 v22, v4  }
0x2b3: {  	v30 =	vld [tilespmem:s1+$0x14030];
	vm3 =	vlt.s32 v25, v4;
	v26 =	vsub.f32 v22, v26;
	vm2 =	vlt.s32 v28, v4  }
0x2b4: {  	v21 =	vld [tilespmem:s1+$0x14040];
	v25 =	vsub.f32 v25, v29;
	v14 =	vmax.f32 v14, $0.0e+00;
	v31 =	vmax.f32 v23, $0.0e+00  }
0x2b5: {  	v22 =	vld [tilespmem:s1+$0x14050];
	v14 =	vor.u32 v14, v15;
	v15 =	vand.u32 $0x80000000, v5;
	v24 =	vor.u32 v31, v24  }
0x2b6: {  	v23 =	vld [tilespmem:s1+$0x14060];
	v27 =	vsel vm0, v14, v12;
	v14 =	vand.u32 $0x7FFFFFFF, v9;
	v12 =	vand.u32 $0x80000000, v9  }
0x2b7: {  	vm0 =	vlt.s32 v20, v4;
	v19 =	vand.u32 $0x7FFFFFFF, v7;
	v13 =	vand.u32 $0x80000000, v7  }
0x2b8: {  	s2 =	simm.s32 $0x400;
	s15 =	simm.s32 $0x200;
	s4 =	simm.s32 $0xC000;
	[tilespmem:s1+$0xC070] =	vst v27;
	v27 =	vmax.f32 v26, $0.0e+00;
	v26 =	vsub.f32 v28, v30;
	vm1 =	vlt.s32 v19, v4  }
.LBB2_28:
0x2b9: {  	s16 =	sshra.s32 s15, $0x2;
	s2 =	sadd.s32 $0x8, s2;
	v17 =	vor.u32 v27, v17;
	v25 =	vmax.f32 v25, $0.0e+00;
	v20 =	vsub.f32 v20, v21  }
0x2ba: {  	v21 =	vld [tilespmem:s16+$0xC070];
	p0 =	slt.u32 s2, $0x7F8;
	v18 =	vor.u32 v25, v18;
	v25 =	vmax.f32 v26, $0.0e+00;
	v19 =	vsub.f32 v19, v22  }
0x2bb: {  	v22 =	vld [tilespmem:s16+$0x14070];
	v16 =	vor.u32 v25, v16;
	v20 =	vmax.f32 v20, $0.0e+00;
	v23 =	vsub.f32 v14, v23  }
0x2bc: {  	vm6 =	vlt.s32 v14, v4;
	v25 =	vld [tilespmem:s16+$0xC000];
	v15 =	vor.u32 v20, v15;
	v19 =	vmax.f32 v19, $0.0e+00  }
0x2bd: {  	v11 =	vsel vm4, v24, v11;
	v14 =	vld [tilespmem:s16+$0xC010];
	v13 =	vor.u32 v19, v13;
	v19 =	vmax.f32 v23, $0.0e+00  }
0x2be: {  	v10 =	vsel vm5, v17, v10;
	[tilespmem:s1+$0xC000] =	vst v11;
	v11 =	vsel vm3, v18, v8;
	v8 =	vld [tilespmem:s16+$0xC020];
	v12 =	vor.u32 v19, v12  }
0x2bf: {  	v15 =	vsel vm0, v15, v5;
	v17 =	vand.u32 $0x7FFFFFFF, v21;
	[tilespmem:s1+$0xC010] =	vst v10;
	v10 =	vsel vm2, v16, v6;
	v6 =	vld [tilespmem:s16+$0xC030]  }
0x2c0: {  	v13 =	vsel vm1, v13, v7;
	v12 =	vsel vm6, v12, v9;
	v5 =	vld [tilespmem:s16+$0xC040];
	v16 =	vsub.f32 v17, v22;
	[tilespmem:s1+$0xC020] =	vst v11  }
0x2c1: {  	v22 =	vand.u32 $0x7FFFFFFF, v25;
	v24 =	vand.u32 $0x80000000, v25;
	v7 =	vld [tilespmem:s16+$0xC050];
	[tilespmem:s1+$0xC030] =	vst v10;
	v11 =	vmov v25  }
0x2c2: {  	v18 =	vand.u32 $0x80000000, v21;
	v23 =	vand.u32 $0x7FFFFFFF, v14;
	v9 =	vld [tilespmem:s16+$0xC060];
	v16 =	vmax.f32 v16, $0.0e+00;
	[tilespmem:s1+$0xC040] =	vst v15;
	v10 =	vmovc v14  }
0x2c3: {  	vm0 =	vlt.s32 v17, v4;
	v25 =	vld [tilespmem:s16+$0x14000];
	v26 =	vand.u32 $0x7FFFFFFF, v8;
	v14 =	vor.u32 v16, v18;
	[tilespmem:s1+$0xC050] =	vst v13  }
0x2c4: {  	v17 =	vand.u32 $0x80000000, v10;
	v27 =	vld [tilespmem:s16+$0x14010];
	v28 =	vand.u32 $0x7FFFFFFF, v6;
	v13 =	vsel vm0, v14, v21;
	[tilespmem:s1+$0xC060] =	vst v12;
	s1 =	smov.u32 s16  }
0x2c5: {  	v18 =	vand.u32 $0x80000000, v8;
	v16 =	vand.u32 $0x80000000, v6;
	v29 =	vld [tilespmem:s1+$0x14020];
	v20 =	vand.u32 $0x7FFFFFFF, v5;
	[tilespmem:s1+$0xC070] =	vst v13  }
0x2c6: {  	v15 =	vand.u32 $0x80000000, v5;
	v30 =	vld [tilespmem:s1+$0x14030];
	v19 =	vand.u32 $0x7FFFFFFF, v7;
	v13 =	vand.u32 $0x80000000, v7  }
.Ltmp13:
0x2c7: {  	vm4 =	vlt.s32 v22, v4;
	v21 =	vld [tilespmem:s1+$0x14040];
	v14 =	vand.u32 $0x7FFFFFFF, v9;
	v12 =	vand.u32 $0x80000000, v9;
	(pc) =	sbr.rel @p0 .LBB2_28-.Ltmp13, $4  }
0x2c8: {  	vm5 =	vlt.s32 v23, v4;
	vm3 =	vlt.s32 v26, v4;
	v25 =	vsub.f32 v22, v25;
	v22 =	vld [tilespmem:s1+$0x14050]  }
0x2c9: {  	vm2 =	vlt.s32 v28, v4;
	vm0 =	vlt.s32 v20, v4;
	v27 =	vsub.f32 v23, v27;
	v23 =	vld [tilespmem:s1+$0x14060]  }
0x2ca: {  	vm1 =	vlt.s32 v19, v4;
	v31 =	vmax.f32 v25, $0.0e+00;
	v25 =	vsub.f32 v26, v29  }
0x2cb: {  	s15 =	sadd.s32 $0x200, s15;
	v24 =	vor.u32 v31, v24;
	v27 =	vmax.f32 v27, $0.0e+00;
	v26 =	vsub.f32 v28, v30  }
0x2cc: {  	v17 =	vor.u32 v27, v17;
	v25 =	vmax.f32 v25, $0.0e+00;
	v20 =	vsub.f32 v20, v21  }
0x2cd: {  	v11 =	vsel vm4, v24, v11;
	v18 =	vor.u32 v25, v18;
	v56 =	vmax.f32 v26, $0.0e+00  }
0x2ce: {  	v19 =	vsub.f32 v19, v22;
	[tilespmem:s1+$0xC000] =	vst v11;
	v10 =	vsel vm5, v17, v10;
	v16 =	vor.u32 v56, v16  }
0x2cf: {  	v57 =	vmax.f32 v20, $0.0e+00;
	v58 =	vsub.f32 v14, v23;
	v8 =	vsel vm3, v18, v8;
	[tilespmem:s1+$0xC010] =	vst v10  }
0x2d0: {  	v59 =	vor.u32 v57, v15;
	v60 =	vmax.f32 v19, $0.0e+00;
	v6 =	vsel vm2, v16, v6;
	[tilespmem:s1+$0xC020] =	vst v8  }
0x2d1: {  	v61 =	vor.u32 v60, v13;
	v62 =	vmax.f32 v58, $0.0e+00;
	v5 =	vsel vm0, v59, v5;
	[tilespmem:s1+$0xC030] =	vst v6  }
0x2d2: {  	vm15 =	vlt.s32 v14, v4;
	v4 =	vor.u32 v62, v12;
	v63 =	vsel vm1, v61, v7;
	[tilespmem:s1+$0xC040] =	vst v5  }
0x2d3: {  	v4 =	vsel vm15, v4, v9;
	[tilespmem:s1+$0xC050] =	vst v63  }
0x2d4: {  	[tilespmem:s1+$0xC060] =	vst v4  }
0x2d5: {  	[hbm4b:s11+s13] =	stream.strided.scatter [tilespmem:s4], [sflag:$0x8], $0x4000, s14, s13, $0x38;
	[tilespmem:$0x1C500] =	vst v63  }
0x2d6: {  	_ =	swait.ge [sflag:s28], $0x4000  }
0x2d7: {  	[sflag:s28] =	ssyncset.done $0x0  }
0x2d8: {  	[sflag:s28] =	ssyncadd.s32 $0xFFFFC000  }
0x2d9: {  	_ =	swait.ge [sflag:s29], $0x4000  }
0x2da: {  	[sflag:s29] =	ssyncset.done $0x0  }
0x2db: {  	s0 =	sadd.s32 $0x1, s0;
	[sflag:s29] =	ssyncadd.s32 $0xFFFFC000  }
0x2dc: {  	p0 =	sne.s32 s0, s12;
	_ =	swait.ge [sflag:s30], $0x4000  }
.Ltmp14:
0x2dd: {  	[sflag:s30] =	ssyncset.done $0x0;
	(pc) =	sbr.rel @p0 .LBB2_1-.Ltmp14, $4  }
0x2de: {  	[sflag:s30] =	ssyncadd.s32 $0xFFFFC000  }
0x2df: {  	_ =	swait.ge [sflag:s31], $0x4000  }
0x2e0: {  	[sflag:s31] =	ssyncset.done $0x0  }
0x2e1: {  	[sflag:s31] =	ssyncadd.s32 $0xFFFFC000  }
0x2e2: {  	_ =	sfence.sel $0x180000  }
0x2e3: {  	[bflag:$0x0] =	sbarrier.arrive $0xFFFF  }
0x2e4: {  	_ =	strace $0x90000047  }
0x2e5: {  	s0 =	stileid.u32;
	[bflag:$0x2] =	sbarrier.arrive $0xFFFF  }
0x2e6: {  	p0 =	sne.s32 s0, $0x0;
	s0 =	rddreg [dreg:$0x3]  }
0x2e7: {  	s0 =	sadd.s32 @!p0 $0x100000, s0  }
0x2e8: {  	[sflag:s0] =	ssyncadd.tile.s32 @!p0 $0x1;
	_ =	shalt  }
.Lfunc_end2:
_tile_overlayer_lowered:
.L_overlay_start_2:
0x2e9: {  	(tag) =	ssettag $0x2  }
0x2ea: {  	s0 =	rddreg [dreg:$0x0];
	s2 =	stileid.u32  }
0x2eb: {  	s1 =	rddreg [dreg:$0x1];
	p0 =	sne.s32 s2, $0x0  }
0x2ec: {  	s3 =	rddreg [dreg:$0x2];
	[bflag:$0x3] =	sbarrier.arrive $0xFFFF;
	s2 =	simm.s32 @!p0 $0x1C0A  }
0x2ed: {  	[timem:s3], [sflag:s2] =	dma.local @!p0 [hbm:s0], s1  }
0x2ee: {  	s0 =	simm.s32 @!p0 $0xA  }
0x2ef: {  	_ =	swait.ge @!p0 [sflag:s0], s1  }
0x2f0: {  	s1 =	ssub.s32 @!p0 $0x0, s1;
	[sflag:s0] =	ssyncset.done @!p0 $0x0  }
0x2f1: {  	[sflag:s0] =	ssyncadd.s32 @!p0 s1  }
0x2f2: {  	[bflag:$0x3] =	sbarrier.arrive $0xFFFF  }
0x2f3: {  	_ =	shalt  }

</sc_bundles>
